<compile_context>
chip_gen: v7x
topology: tpu7x:2x2x1
jax: 0.10.2.dev20260603
libtpu: 0.0.44.dev20260713+nightly
codegen_flags: <defaults>
</compile_context>

<pallas_src>
import functools

import jax
import jax.numpy as jnp
from jax import lax
from jax.experimental import pallas as pl
from jax.experimental.pallas import tpu as pltpu
from jax.experimental.pallas import tpu_sc as plsc

N = 100000
HIDDEN = 256
NUM_EMB = 95

NC = 2
NS = 16
NW = NC * NS

CHUNK = 160
GROUPS = CHUNK // 16
NCHUNKS = N // CHUNK
NMAX = -(-NCHUNKS // NW)
NFULL = NCHUNKS - NW * (NMAX - 1)
NBUF = 2
NROUND = NMAX // NBUF
TBL = NUM_EMB * HIDDEN


def _swish_table(w):
    def body(w_ref, o_ref):
        v = w_ref[...]
        o_ref[...] = v * (1.0 / (1.0 + jnp.exp(-v)))
    return pl.pallas_call(
        body,
        out_shape=jax.ShapeDtypeStruct(w.shape, w.dtype),
    )(w)


def _make_sc_lookup():
    mesh = plsc.VectorSubcoreMesh(core_axis_name="c", subcore_axis_name="s")

    @functools.partial(
        pl.kernel,
        mesh=mesh,
        out_type=jax.ShapeDtypeStruct((N * HIDDEN,), jnp.float32),
        scratch_types=[
            pltpu.VMEM((NMAX * CHUNK + 16,), jnp.int32),
            pltpu.VMEM((TBL,), jnp.float32),
        ] + [pltpu.VMEM((CHUNK * HIDDEN,), jnp.float32)] * NBUF
          + [pltpu.SemaphoreType.DMA]
          + [pltpu.SemaphoreType.DMA] * NBUF,
        compiler_params=pltpu.CompilerParams(needs_layout_passes=False),
    )
    def sc_lookup(table_hbm, idx_hbm, out_hbm, idx_all, table_v, *rest):
        rows = rest[:NBUF]
        isem = rest[NBUF]
        wsems = rest[NBUF + 1:]
        w = lax.axis_index("s") * NC + lax.axis_index("c")
        last = w < NFULL

        def idx_base(i):
            return pl.multiple_of((w + i * NW) * CHUNK, CHUNK)

        def out_base(i):
            return pl.multiple_of((w + i * NW) * CHUNK * HIDDEN, CHUNK * HIDDEN)

        icps = [
            pltpu.make_async_copy(
                idx_hbm.at[pl.ds(idx_base(i), CHUNK)],
                idx_all.at[pl.ds(i * CHUNK, CHUNK)],
                isem,
            )
            for i in range(NMAX)
        ]
        tcp = pltpu.make_async_copy(table_hbm, table_v, isem)
        tcp.start()
        for i in range(NMAX - 1):
            icps[i].start()
        pl.when(last)(icps[NMAX - 1].start)
        tcp.wait()
        for i in range(NMAX - 1):
            icps[i].wait()
        pl.when(last)(icps[NMAX - 1].wait)

        lane = lax.iota(jnp.int32, 16)

        def compute_chunk(i, b):
            @plsc.parallel_loop(0, CHUNK, 1, unroll=4)
            def row(r):
                s = idx_all[pl.ds(i * CHUNK + r, 16)][0]
                base = s * HIDDEN
                dst = r * HIDDEN
                for k in range(HIDDEN // 16):
                    rows[b][pl.ds(dst + k * 16, 16)] = table_v[pl.ds(base + k * 16, 16)]

        def wcp(i, b):
            return pltpu.make_async_copy(
                rows[b],
                out_hbm.at[pl.ds(out_base(i), CHUNK * HIDDEN)],
                wsems[b],
            )

        def around(j, carry):
            glast = jnp.logical_or(j < NROUND - 1, last)
            for b in range(NBUF):
                i = NBUF * j + b
                guard = glast if b == NBUF - 1 else None
                if b == NBUF - 1:
                    pl.when(j > 0)(wcp(0, b).wait)
                else:
                    pl.when(j > 0)(wcp(0, b).wait)

                def do(b=b, i=i):
                    compute_chunk(i, b)
                    wcp(i, b).start()

                if guard is None:
                    do()
                else:
                    pl.when(guard)(do)
            return carry

        lax.fori_loop(0, NROUND, around, 0)
        for b in range(NBUF - 1):
            wcp(0, b).wait()
        pl.when(last)(wcp(0, NBUF - 1).wait)

    return sc_lookup


_sc_lookup = _make_sc_lookup()


def kernel(x, emb_weight):
    act_table = _swish_table(emb_weight)
    flat = _sc_lookup(act_table.reshape(-1), x.astype(jnp.int32))
    return flat.reshape(N, HIDDEN)

# --- scband reference (transcript-rebuilt; emitter-appended) ---
"""Pipeline reference for scband-embedding-block-4818953306114 (READ-ONLY COPY).

The authoritative reference and input builder live on the scoring server;
editing this copy changes nothing except your own understanding.
"""

import jax, jax.numpy as jnp
import numpy as np
import math

HIDDEN = 256
NUM_EMB = 95
N = 100000

def setup_inputs(seed: int = 0) -> dict:
    key = jax.random.key(seed)
    k1, k2 = jax.random.split(key)
    x = jax.random.randint(k1, (N,), 0, NUM_EMB, dtype=jnp.int64 if jax.config.jax_enable_x64 else jnp.int32)
    emb_weight = jax.random.uniform(k2, (NUM_EMB, HIDDEN), dtype=jnp.float32, minval=-math.sqrt(3.0), maxval=math.sqrt(3.0))
    return {"x": x, "emb_weight": emb_weight}

def swish(x):
    return x * jax.nn.sigmoid(x)

def reference(x, emb_weight):
    # x = self.act(self.emb(x))
    h = jnp.take(emb_weight, x, axis=0)
    return swish(h)

if __name__ == "__main__":
    import jax
    _d = setup_inputs()
    print(jax.jit(kernel)(*tuple(_d.values())))

</pallas_src>

<mosaic_0001>
#map = affine_map<(d0, d1) -> (0)>
module attributes {stable_mosaic.version = 14 : i64} {
  func.func @sc_lookup(%arg0: i32, %arg1: i32, %arg2: memref<24320xf32, #tpu.memory_space<hbm>>, %arg3: memref<100000xi32, #tpu.memory_space<hbm>>, %arg4: memref<25600000xf32, #tpu.memory_space<hbm>>, %arg5: memref<3216xi32, #tpu.memory_space<vmem>>, %arg6: memref<24320xf32, #tpu.memory_space<vmem>>, %arg7: memref<40960xf32, #tpu.memory_space<vmem>>, %arg8: memref<40960xf32, #tpu.memory_space<vmem>>, %arg9: memref<!tpu.dma_semaphore, #tpu.memory_space<semaphore_mem>>, %arg10: memref<!tpu.dma_semaphore, #tpu.memory_space<semaphore_mem>>, %arg11: memref<!tpu.dma_semaphore, #tpu.memory_space<semaphore_mem>>) attributes {dimension_semantics = [#tpu.dimension_semantics<core_parallel>, #tpu.dimension_semantics<subcore_parallel>], iteration_bounds = array<i64: 2, 16>, scalar_prefetch = 0 : i64, scratch_operands = 7 : i64, tpu.core_type = #tpu.core_type<sc_vector_subcore>, window_params = [{transform_indices = #map}, {transform_indices = #map}, {transform_indices = #map}]} {
    %mul3A = arith.constant 2 : i32
    %mul3A_0 = arith.muli %arg1, %mul3A : i32
    %add3A = arith.addi %mul3A_0, %arg0 : i32
    %lt3A = arith.constant 17 : i32
    %lt3A_1 = arith.cmpi slt, %add3A, %lt3A : i32
    %add3A_2 = arith.constant 0 : i32
    %add3A_3 = arith.addi %add3A, %add3A_2 : i32
    %mul3A_4 = arith.constant 160 : i32
    %mul3A_5 = arith.muli %add3A_3, %mul3A_4 : i32
    %multiple_of3A = tpu.assume_multiple %mul3A_5, 160 : i32
    %add3A_6 = arith.constant 32 : i32
    %add3A_7 = arith.addi %add3A, %add3A_6 : i32
    %mul3A_8 = arith.constant 160 : i32
    %mul3A_9 = arith.muli %add3A_7, %mul3A_8 : i32
    %multiple_of3A_10 = tpu.assume_multiple %mul3A_9, 160 : i32
    %add3A_11 = arith.constant 64 : i32
    %add3A_12 = arith.addi %add3A, %add3A_11 : i32
    %mul3A_13 = arith.constant 160 : i32
    %mul3A_14 = arith.muli %add3A_12, %mul3A_13 : i32
    %multiple_of3A_15 = tpu.assume_multiple %mul3A_14, 160 : i32
    %add3A_16 = arith.constant 96 : i32
    %add3A_17 = arith.addi %add3A, %add3A_16 : i32
    %mul3A_18 = arith.constant 160 : i32
    %mul3A_19 = arith.muli %add3A_17, %mul3A_18 : i32
    %multiple_of3A_20 = tpu.assume_multiple %mul3A_19, 160 : i32
    %add3A_21 = arith.constant 128 : i32
    %add3A_22 = arith.addi %add3A, %add3A_21 : i32
    %mul3A_23 = arith.constant 160 : i32
    %mul3A_24 = arith.muli %add3A_22, %mul3A_23 : i32
    %multiple_of3A_25 = tpu.assume_multiple %mul3A_24, 160 : i32
    %add3A_26 = arith.constant 160 : i32
    %add3A_27 = arith.addi %add3A, %add3A_26 : i32
    %mul3A_28 = arith.constant 160 : i32
    %mul3A_29 = arith.muli %add3A_27, %mul3A_28 : i32
    %multiple_of3A_30 = tpu.assume_multiple %mul3A_29, 160 : i32
    %add3A_31 = arith.constant 192 : i32
    %add3A_32 = arith.addi %add3A, %add3A_31 : i32
    %mul3A_33 = arith.constant 160 : i32
    %mul3A_34 = arith.muli %add3A_32, %mul3A_33 : i32
    %multiple_of3A_35 = tpu.assume_multiple %mul3A_34, 160 : i32
    %add3A_36 = arith.constant 224 : i32
    %add3A_37 = arith.addi %add3A, %add3A_36 : i32
    %mul3A_38 = arith.constant 160 : i32
    %mul3A_39 = arith.muli %add3A_37, %mul3A_38 : i32
    %multiple_of3A_40 = tpu.assume_multiple %mul3A_39, 160 : i32
    %add3A_41 = arith.constant 256 : i32
    %add3A_42 = arith.addi %add3A, %add3A_41 : i32
    %mul3A_43 = arith.constant 160 : i32
    %mul3A_44 = arith.muli %add3A_42, %mul3A_43 : i32
    %multiple_of3A_45 = tpu.assume_multiple %mul3A_44, 160 : i32
    %add3A_46 = arith.constant 288 : i32
    %add3A_47 = arith.addi %add3A, %add3A_46 : i32
    %mul3A_48 = arith.constant 160 : i32
    %mul3A_49 = arith.muli %add3A_47, %mul3A_48 : i32
    %multiple_of3A_50 = tpu.assume_multiple %mul3A_49, 160 : i32
    %add3A_51 = arith.constant 320 : i32
    %add3A_52 = arith.addi %add3A, %add3A_51 : i32
    %mul3A_53 = arith.constant 160 : i32
    %mul3A_54 = arith.muli %add3A_52, %mul3A_53 : i32
    %multiple_of3A_55 = tpu.assume_multiple %mul3A_54, 160 : i32
    %add3A_56 = arith.constant 352 : i32
    %add3A_57 = arith.addi %add3A, %add3A_56 : i32
    %mul3A_58 = arith.constant 160 : i32
    %mul3A_59 = arith.muli %add3A_57, %mul3A_58 : i32
    %multiple_of3A_60 = tpu.assume_multiple %mul3A_59, 160 : i32
    %add3A_61 = arith.constant 384 : i32
    %add3A_62 = arith.addi %add3A, %add3A_61 : i32
    %mul3A_63 = arith.constant 160 : i32
    %mul3A_64 = arith.muli %add3A_62, %mul3A_63 : i32
    %multiple_of3A_65 = tpu.assume_multiple %mul3A_64, 160 : i32
    %add3A_66 = arith.constant 416 : i32
    %add3A_67 = arith.addi %add3A, %add3A_66 : i32
    %mul3A_68 = arith.constant 160 : i32
    %mul3A_69 = arith.muli %add3A_67, %mul3A_68 : i32
    %multiple_of3A_70 = tpu.assume_multiple %mul3A_69, 160 : i32
    %add3A_71 = arith.constant 448 : i32
    %add3A_72 = arith.addi %add3A, %add3A_71 : i32
    %mul3A_73 = arith.constant 160 : i32
    %mul3A_74 = arith.muli %add3A_72, %mul3A_73 : i32
    %multiple_of3A_75 = tpu.assume_multiple %mul3A_74, 160 : i32
    %add3A_76 = arith.constant 480 : i32
    %add3A_77 = arith.addi %add3A, %add3A_76 : i32
    %mul3A_78 = arith.constant 160 : i32
    %mul3A_79 = arith.muli %add3A_77, %mul3A_78 : i32
    %multiple_of3A_80 = tpu.assume_multiple %mul3A_79, 160 : i32
    %add3A_81 = arith.constant 512 : i32
    %add3A_82 = arith.addi %add3A, %add3A_81 : i32
    %mul3A_83 = arith.constant 160 : i32
    %mul3A_84 = arith.muli %add3A_82, %mul3A_83 : i32
    %multiple_of3A_85 = tpu.assume_multiple %mul3A_84, 160 : i32
    %add3A_86 = arith.constant 544 : i32
    %add3A_87 = arith.addi %add3A, %add3A_86 : i32
    %mul3A_88 = arith.constant 160 : i32
    %mul3A_89 = arith.muli %add3A_87, %mul3A_88 : i32
    %multiple_of3A_90 = tpu.assume_multiple %mul3A_89, 160 : i32
    %add3A_91 = arith.constant 576 : i32
    %add3A_92 = arith.addi %add3A, %add3A_91 : i32
    %mul3A_93 = arith.constant 160 : i32
    %mul3A_94 = arith.muli %add3A_92, %mul3A_93 : i32
    %multiple_of3A_95 = tpu.assume_multiple %mul3A_94, 160 : i32
    %add3A_96 = arith.constant 608 : i32
    %add3A_97 = arith.addi %add3A, %add3A_96 : i32
    %mul3A_98 = arith.constant 160 : i32
    %mul3A_99 = arith.muli %add3A_97, %mul3A_98 : i32
    %multiple_of3A_100 = tpu.assume_multiple %mul3A_99, 160 : i32
    tpu.enqueue_dma source(%arg2 : memref<24320xf32, #tpu.memory_space<hbm>>) target(%arg6 : memref<24320xf32, #tpu.memory_space<vmem>>) target_semaphore(%arg9 : memref<!tpu.dma_semaphore, #tpu.memory_space<semaphore_mem>>)
    %dma_start3A = arith.constant 0 : i32
    %dma_start3A_101 = tpu.memref_slice %arg5[%dma_start3A] : memref<3216xi32, #tpu.memory_space<vmem>> -> memref<160xi32, #tpu.memory_space<vmem>>
    %dma_start3A_102 = tpu.memref_slice %arg3[%multiple_of3A] : memref<100000xi32, #tpu.memory_space<hbm>> -> memref<160xi32, #tpu.memory_space<hbm>>
    %dma_start3A_103 = arith.constant 0 : i32
    %dma_start3A_104 = tpu.memref_slice %arg5[%dma_start3A_103] : memref<3216xi32, #tpu.memory_space<vmem>> -> memref<160xi32, #tpu.memory_space<vmem>>
    %dma_start3A_105 = tpu.memref_slice %arg3[%multiple_of3A] : memref<100000xi32, #tpu.memory_space<hbm>> -> memref<160xi32, #tpu.memory_space<hbm>>
    tpu.enqueue_dma source(%dma_start3A_105 : memref<160xi32, #tpu.memory_space<hbm>>) target(%dma_start3A_104 : memref<160xi32, #tpu.memory_space<vmem>>) target_semaphore(%arg9 : memref<!tpu.dma_semaphore, #tpu.memory_space<semaphore_mem>>)
    %dma_start3A_106 = arith.constant 160 : i32
    %dma_start3A_107 = tpu.memref_slice %arg5[%dma_start3A_106] : memref<3216xi32, #tpu.memory_space<vmem>> -> memref<160xi32, #tpu.memory_space<vmem>>
    %dma_start3A_108 = tpu.memref_slice %arg3[%multiple_of3A_10] : memref<100000xi32, #tpu.memory_space<hbm>> -> memref<160xi32, #tpu.memory_space<hbm>>
    %dma_start3A_109 = arith.constant 160 : i32
    %dma_start3A_110 = tpu.memref_slice %arg5[%dma_start3A_109] : memref<3216xi32, #tpu.memory_space<vmem>> -> memref<160xi32, #tpu.memory_space<vmem>>
    %dma_start3A_111 = tpu.memref_slice %arg3[%multiple_of3A_10] : memref<100000xi32, #tpu.memory_space<hbm>> -> memref<160xi32, #tpu.memory_space<hbm>>
    tpu.enqueue_dma source(%dma_start3A_111 : memref<160xi32, #tpu.memory_space<hbm>>) target(%dma_start3A_110 : memref<160xi32, #tpu.memory_space<vmem>>) target_semaphore(%arg9 : memref<!tpu.dma_semaphore, #tpu.memory_space<semaphore_mem>>)
    %dma_start3A_112 = arith.constant 320 : i32
    %dma_start3A_113 = tpu.memref_slice %arg5[%dma_start3A_112] : memref<3216xi32, #tpu.memory_space<vmem>> -> memref<160xi32, #tpu.memory_space<vmem>>
    %dma_start3A_114 = tpu.memref_slice %arg3[%multiple_of3A_15] : memref<100000xi32, #tpu.memory_space<hbm>> -> memref<160xi32, #tpu.memory_space<hbm>>
    %dma_start3A_115 = arith.constant 320 : i32
    %dma_start3A_116 = tpu.memref_slice %arg5[%dma_start3A_115] : memref<3216xi32, #tpu.memory_space<vmem>> -> memref<160xi32, #tpu.memory_space<vmem>>
    %dma_start3A_117 = tpu.memref_slice %arg3[%multiple_of3A_15] : memref<100000xi32, #tpu.memory_space<hbm>> -> memref<160xi32, #tpu.memory_space<hbm>>
    tpu.enqueue_dma source(%dma_start3A_117 : memref<160xi32, #tpu.memory_space<hbm>>) target(%dma_start3A_116 : memref<160xi32, #tpu.memory_space<vmem>>) target_semaphore(%arg9 : memref<!tpu.dma_semaphore, #tpu.memory_space<semaphore_mem>>)
    %dma_start3A_118 = arith.constant 480 : i32
    %dma_start3A_119 = tpu.memref_slice %arg5[%dma_start3A_118] : memref<3216xi32, #tpu.memory_space<vmem>> -> memref<160xi32, #tpu.memory_space<vmem>>
    %dma_start3A_120 = tpu.memref_slice %arg3[%multiple_of3A_20] : memref<100000xi32, #tpu.memory_space<hbm>> -> memref<160xi32, #tpu.memory_space<hbm>>
    %dma_start3A_121 = arith.constant 480 : i32
    %dma_start3A_122 = tpu.memref_slice %arg5[%dma_start3A_121] : memref<3216xi32, #tpu.memory_space<vmem>> -> memref<160xi32, #tpu.memory_space<vmem>>
    %dma_start3A_123 = tpu.memref_slice %arg3[%multiple_of3A_20] : memref<100000xi32, #tpu.memory_space<hbm>> -> memref<160xi32, #tpu.memory_space<hbm>>
    tpu.enqueue_dma source(%dma_start3A_123 : memref<160xi32, #tpu.memory_space<hbm>>) target(%dma_start3A_122 : memref<160xi32, #tpu.memory_space<vmem>>) target_semaphore(%arg9 : memref<!tpu.dma_semaphore, #tpu.memory_space<semaphore_mem>>)
    %dma_start3A_124 = arith.constant 640 : i32
    %dma_start3A_125 = tpu.memref_slice %arg5[%dma_start3A_124] : memref<3216xi32, #tpu.memory_space<vmem>> -> memref<160xi32, #tpu.memory_space<vmem>>
    %dma_start3A_126 = tpu.memref_slice %arg3[%multiple_of3A_25] : memref<100000xi32, #tpu.memory_space<hbm>> -> memref<160xi32, #tpu.memory_space<hbm>>
    %dma_start3A_127 = arith.constant 640 : i32
    %dma_start3A_128 = tpu.memref_slice %arg5[%dma_start3A_127] : memref<3216xi32, #tpu.memory_space<vmem>> -> memref<160xi32, #tpu.memory_space<vmem>>
    %dma_start3A_129 = tpu.memref_slice %arg3[%multiple_of3A_25] : memref<100000xi32, #tpu.memory_space<hbm>> -> memref<160xi32, #tpu.memory_space<hbm>>
    tpu.enqueue_dma source(%dma_start3A_129 : memref<160xi32, #tpu.memory_space<hbm>>) target(%dma_start3A_128 : memref<160xi32, #tpu.memory_space<vmem>>) target_semaphore(%arg9 : memref<!tpu.dma_semaphore, #tpu.memory_space<semaphore_mem>>)
    %dma_start3A_130 = arith.constant 800 : i32
    %dma_start3A_131 = tpu.memref_slice %arg5[%dma_start3A_130] : memref<3216xi32, #tpu.memory_space<vmem>> -> memref<160xi32, #tpu.memory_space<vmem>>
    %dma_start3A_132 = tpu.memref_slice %arg3[%multiple_of3A_30] : memref<100000xi32, #tpu.memory_space<hbm>> -> memref<160xi32, #tpu.memory_space<hbm>>
    %dma_start3A_133 = arith.constant 800 : i32
    %dma_start3A_134 = tpu.memref_slice %arg5[%dma_start3A_133] : memref<3216xi32, #tpu.memory_space<vmem>> -> memref<160xi32, #tpu.memory_space<vmem>>
    %dma_start3A_135 = tpu.memref_slice %arg3[%multiple_of3A_30] : memref<100000xi32, #tpu.memory_space<hbm>> -> memref<160xi32, #tpu.memory_space<hbm>>
    tpu.enqueue_dma source(%dma_start3A_135 : memref<160xi32, #tpu.memory_space<hbm>>) target(%dma_start3A_134 : memref<160xi32, #tpu.memory_space<vmem>>) target_semaphore(%arg9 : memref<!tpu.dma_semaphore, #tpu.memory_space<semaphore_mem>>)
    %dma_start3A_136 = arith.constant 960 : i32
    %dma_start3A_137 = tpu.memref_slice %arg5[%dma_start3A_136] : memref<3216xi32, #tpu.memory_space<vmem>> -> memref<160xi32, #tpu.memory_space<vmem>>
    %dma_start3A_138 = tpu.memref_slice %arg3[%multiple_of3A_35] : memref<100000xi32, #tpu.memory_space<hbm>> -> memref<160xi32, #tpu.memory_space<hbm>>
    %dma_start3A_139 = arith.constant 960 : i32
    %dma_start3A_140 = tpu.memref_slice %arg5[%dma_start3A_139] : memref<3216xi32, #tpu.memory_space<vmem>> -> memref<160xi32, #tpu.memory_space<vmem>>
    %dma_start3A_141 = tpu.memref_slice %arg3[%multiple_of3A_35] : memref<100000xi32, #tpu.memory_space<hbm>> -> memref<160xi32, #tpu.memory_space<hbm>>
    tpu.enqueue_dma source(%dma_start3A_141 : memref<160xi32, #tpu.memory_space<hbm>>) target(%dma_start3A_140 : memref<160xi32, #tpu.memory_space<vmem>>) target_semaphore(%arg9 : memref<!tpu.dma_semaphore, #tpu.memory_space<semaphore_mem>>)
    %dma_start3A_142 = arith.constant 1120 : i32
    %dma_start3A_143 = tpu.memref_slice %arg5[%dma_start3A_142] : memref<3216xi32, #tpu.memory_space<vmem>> -> memref<160xi32, #tpu.memory_space<vmem>>
    %dma_start3A_144 = tpu.memref_slice %arg3[%multiple_of3A_40] : memref<100000xi32, #tpu.memory_space<hbm>> -> memref<160xi32, #tpu.memory_space<hbm>>
    %dma_start3A_145 = arith.constant 1120 : i32
    %dma_start3A_146 = tpu.memref_slice %arg5[%dma_start3A_145] : memref<3216xi32, #tpu.memory_space<vmem>> -> memref<160xi32, #tpu.memory_space<vmem>>
    %dma_start3A_147 = tpu.memref_slice %arg3[%multiple_of3A_40] : memref<100000xi32, #tpu.memory_space<hbm>> -> memref<160xi32, #tpu.memory_space<hbm>>
    tpu.enqueue_dma source(%dma_start3A_147 : memref<160xi32, #tpu.memory_space<hbm>>) target(%dma_start3A_146 : memref<160xi32, #tpu.memory_space<vmem>>) target_semaphore(%arg9 : memref<!tpu.dma_semaphore, #tpu.memory_space<semaphore_mem>>)
    %dma_start3A_148 = arith.constant 1280 : i32
    %dma_start3A_149 = tpu.memref_slice %arg5[%dma_start3A_148] : memref<3216xi32, #tpu.memory_space<vmem>> -> memref<160xi32, #tpu.memory_space<vmem>>
    %dma_start3A_150 = tpu.memref_slice %arg3[%multiple_of3A_45] : memref<100000xi32, #tpu.memory_space<hbm>> -> memref<160xi32, #tpu.memory_space<hbm>>
    %dma_start3A_151 = arith.constant 1280 : i32
    %dma_start3A_152 = tpu.memref_slice %arg5[%dma_start3A_151] : memref<3216xi32, #tpu.memory_space<vmem>> -> memref<160xi32, #tpu.memory_space<vmem>>
    %dma_start3A_153 = tpu.memref_slice %arg3[%multiple_of3A_45] : memref<100000xi32, #tpu.memory_space<hbm>> -> memref<160xi32, #tpu.memory_space<hbm>>
    tpu.enqueue_dma source(%dma_start3A_153 : memref<160xi32, #tpu.memory_space<hbm>>) target(%dma_start3A_152 : memref<160xi32, #tpu.memory_space<vmem>>) target_semaphore(%arg9 : memref<!tpu.dma_semaphore, #tpu.memory_space<semaphore_mem>>)
    %dma_start3A_154 = arith.constant 1440 : i32
    %dma_start3A_155 = tpu.memref_slice %arg5[%dma_start3A_154] : memref<3216xi32, #tpu.memory_space<vmem>> -> memref<160xi32, #tpu.memory_space<vmem>>
    %dma_start3A_156 = tpu.memref_slice %arg3[%multiple_of3A_50] : memref<100000xi32, #tpu.memory_space<hbm>> -> memref<160xi32, #tpu.memory_space<hbm>>
    %dma_start3A_157 = arith.constant 1440 : i32
    %dma_start3A_158 = tpu.memref_slice %arg5[%dma_start3A_157] : memref<3216xi32, #tpu.memory_space<vmem>> -> memref<160xi32, #tpu.memory_space<vmem>>
    %dma_start3A_159 = tpu.memref_slice %arg3[%multiple_of3A_50] : memref<100000xi32, #tpu.memory_space<hbm>> -> memref<160xi32, #tpu.memory_space<hbm>>
    tpu.enqueue_dma source(%dma_start3A_159 : memref<160xi32, #tpu.memory_space<hbm>>) target(%dma_start3A_158 : memref<160xi32, #tpu.memory_space<vmem>>) target_semaphore(%arg9 : memref<!tpu.dma_semaphore, #tpu.memory_space<semaphore_mem>>)
    %dma_start3A_160 = arith.constant 1600 : i32
    %dma_start3A_161 = tpu.memref_slice %arg5[%dma_start3A_160] : memref<3216xi32, #tpu.memory_space<vmem>> -> memref<160xi32, #tpu.memory_space<vmem>>
    %dma_start3A_162 = tpu.memref_slice %arg3[%multiple_of3A_55] : memref<100000xi32, #tpu.memory_space<hbm>> -> memref<160xi32, #tpu.memory_space<hbm>>
    %dma_start3A_163 = arith.constant 1600 : i32
    %dma_start3A_164 = tpu.memref_slice %arg5[%dma_start3A_163] : memref<3216xi32, #tpu.memory_space<vmem>> -> memref<160xi32, #tpu.memory_space<vmem>>
    %dma_start3A_165 = tpu.memref_slice %arg3[%multiple_of3A_55] : memref<100000xi32, #tpu.memory_space<hbm>> -> memref<160xi32, #tpu.memory_space<hbm>>
    tpu.enqueue_dma source(%dma_start3A_165 : memref<160xi32, #tpu.memory_space<hbm>>) target(%dma_start3A_164 : memref<160xi32, #tpu.memory_space<vmem>>) target_semaphore(%arg9 : memref<!tpu.dma_semaphore, #tpu.memory_space<semaphore_mem>>)
    %dma_start3A_166 = arith.constant 1760 : i32
    %dma_start3A_167 = tpu.memref_slice %arg5[%dma_start3A_166] : memref<3216xi32, #tpu.memory_space<vmem>> -> memref<160xi32, #tpu.memory_space<vmem>>
    %dma_start3A_168 = tpu.memref_slice %arg3[%multiple_of3A_60] : memref<100000xi32, #tpu.memory_space<hbm>> -> memref<160xi32, #tpu.memory_space<hbm>>
    %dma_start3A_169 = arith.constant 1760 : i32
    %dma_start3A_170 = tpu.memref_slice %arg5[%dma_start3A_169] : memref<3216xi32, #tpu.memory_space<vmem>> -> memref<160xi32, #tpu.memory_space<vmem>>
    %dma_start3A_171 = tpu.memref_slice %arg3[%multiple_of3A_60] : memref<100000xi32, #tpu.memory_space<hbm>> -> memref<160xi32, #tpu.memory_space<hbm>>
    tpu.enqueue_dma source(%dma_start3A_171 : memref<160xi32, #tpu.memory_space<hbm>>) target(%dma_start3A_170 : memref<160xi32, #tpu.memory_space<vmem>>) target_semaphore(%arg9 : memref<!tpu.dma_semaphore, #tpu.memory_space<semaphore_mem>>)
    %dma_start3A_172 = arith.constant 1920 : i32
    %dma_start3A_173 = tpu.memref_slice %arg5[%dma_start3A_172] : memref<3216xi32, #tpu.memory_space<vmem>> -> memref<160xi32, #tpu.memory_space<vmem>>
    %dma_start3A_174 = tpu.memref_slice %arg3[%multiple_of3A_65] : memref<100000xi32, #tpu.memory_space<hbm>> -> memref<160xi32, #tpu.memory_space<hbm>>
    %dma_start3A_175 = arith.constant 1920 : i32
    %dma_start3A_176 = tpu.memref_slice %arg5[%dma_start3A_175] : memref<3216xi32, #tpu.memory_space<vmem>> -> memref<160xi32, #tpu.memory_space<vmem>>
    %dma_start3A_177 = tpu.memref_slice %arg3[%multiple_of3A_65] : memref<100000xi32, #tpu.memory_space<hbm>> -> memref<160xi32, #tpu.memory_space<hbm>>
    tpu.enqueue_dma source(%dma_start3A_177 : memref<160xi32, #tpu.memory_space<hbm>>) target(%dma_start3A_176 : memref<160xi32, #tpu.memory_space<vmem>>) target_semaphore(%arg9 : memref<!tpu.dma_semaphore, #tpu.memory_space<semaphore_mem>>)
    %dma_start3A_178 = arith.constant 2080 : i32
    %dma_start3A_179 = tpu.memref_slice %arg5[%dma_start3A_178] : memref<3216xi32, #tpu.memory_space<vmem>> -> memref<160xi32, #tpu.memory_space<vmem>>
    %dma_start3A_180 = tpu.memref_slice %arg3[%multiple_of3A_70] : memref<100000xi32, #tpu.memory_space<hbm>> -> memref<160xi32, #tpu.memory_space<hbm>>
    %dma_start3A_181 = arith.constant 2080 : i32
    %dma_start3A_182 = tpu.memref_slice %arg5[%dma_start3A_181] : memref<3216xi32, #tpu.memory_space<vmem>> -> memref<160xi32, #tpu.memory_space<vmem>>
    %dma_start3A_183 = tpu.memref_slice %arg3[%multiple_of3A_70] : memref<100000xi32, #tpu.memory_space<hbm>> -> memref<160xi32, #tpu.memory_space<hbm>>
    tpu.enqueue_dma source(%dma_start3A_183 : memref<160xi32, #tpu.memory_space<hbm>>) target(%dma_start3A_182 : memref<160xi32, #tpu.memory_space<vmem>>) target_semaphore(%arg9 : memref<!tpu.dma_semaphore, #tpu.memory_space<semaphore_mem>>)
    %dma_start3A_184 = arith.constant 2240 : i32
    %dma_start3A_185 = tpu.memref_slice %arg5[%dma_start3A_184] : memref<3216xi32, #tpu.memory_space<vmem>> -> memref<160xi32, #tpu.memory_space<vmem>>
    %dma_start3A_186 = tpu.memref_slice %arg3[%multiple_of3A_75] : memref<100000xi32, #tpu.memory_space<hbm>> -> memref<160xi32, #tpu.memory_space<hbm>>
    %dma_start3A_187 = arith.constant 2240 : i32
    %dma_start3A_188 = tpu.memref_slice %arg5[%dma_start3A_187] : memref<3216xi32, #tpu.memory_space<vmem>> -> memref<160xi32, #tpu.memory_space<vmem>>
    %dma_start3A_189 = tpu.memref_slice %arg3[%multiple_of3A_75] : memref<100000xi32, #tpu.memory_space<hbm>> -> memref<160xi32, #tpu.memory_space<hbm>>
    tpu.enqueue_dma source(%dma_start3A_189 : memref<160xi32, #tpu.memory_space<hbm>>) target(%dma_start3A_188 : memref<160xi32, #tpu.memory_space<vmem>>) target_semaphore(%arg9 : memref<!tpu.dma_semaphore, #tpu.memory_space<semaphore_mem>>)
    %dma_start3A_190 = arith.constant 2400 : i32
    %dma_start3A_191 = tpu.memref_slice %arg5[%dma_start3A_190] : memref<3216xi32, #tpu.memory_space<vmem>> -> memref<160xi32, #tpu.memory_space<vmem>>
    %dma_start3A_192 = tpu.memref_slice %arg3[%multiple_of3A_80] : memref<100000xi32, #tpu.memory_space<hbm>> -> memref<160xi32, #tpu.memory_space<hbm>>
    %dma_start3A_193 = arith.constant 2400 : i32
    %dma_start3A_194 = tpu.memref_slice %arg5[%dma_start3A_193] : memref<3216xi32, #tpu.memory_space<vmem>> -> memref<160xi32, #tpu.memory_space<vmem>>
    %dma_start3A_195 = tpu.memref_slice %arg3[%multiple_of3A_80] : memref<100000xi32, #tpu.memory_space<hbm>> -> memref<160xi32, #tpu.memory_space<hbm>>
    tpu.enqueue_dma source(%dma_start3A_195 : memref<160xi32, #tpu.memory_space<hbm>>) target(%dma_start3A_194 : memref<160xi32, #tpu.memory_space<vmem>>) target_semaphore(%arg9 : memref<!tpu.dma_semaphore, #tpu.memory_space<semaphore_mem>>)
    %dma_start3A_196 = arith.constant 2560 : i32
    %dma_start3A_197 = tpu.memref_slice %arg5[%dma_start3A_196] : memref<3216xi32, #tpu.memory_space<vmem>> -> memref<160xi32, #tpu.memory_space<vmem>>
    %dma_start3A_198 = tpu.memref_slice %arg3[%multiple_of3A_85] : memref<100000xi32, #tpu.memory_space<hbm>> -> memref<160xi32, #tpu.memory_space<hbm>>
    %dma_start3A_199 = arith.constant 2560 : i32
    %dma_start3A_200 = tpu.memref_slice %arg5[%dma_start3A_199] : memref<3216xi32, #tpu.memory_space<vmem>> -> memref<160xi32, #tpu.memory_space<vmem>>
    %dma_start3A_201 = tpu.memref_slice %arg3[%multiple_of3A_85] : memref<100000xi32, #tpu.memory_space<hbm>> -> memref<160xi32, #tpu.memory_space<hbm>>
    tpu.enqueue_dma source(%dma_start3A_201 : memref<160xi32, #tpu.memory_space<hbm>>) target(%dma_start3A_200 : memref<160xi32, #tpu.memory_space<vmem>>) target_semaphore(%arg9 : memref<!tpu.dma_semaphore, #tpu.memory_space<semaphore_mem>>)
    %dma_start3A_202 = arith.constant 2720 : i32
    %dma_start3A_203 = tpu.memref_slice %arg5[%dma_start3A_202] : memref<3216xi32, #tpu.memory_space<vmem>> -> memref<160xi32, #tpu.memory_space<vmem>>
    %dma_start3A_204 = tpu.memref_slice %arg3[%multiple_of3A_90] : memref<100000xi32, #tpu.memory_space<hbm>> -> memref<160xi32, #tpu.memory_space<hbm>>
    %dma_start3A_205 = arith.constant 2720 : i32
    %dma_start3A_206 = tpu.memref_slice %arg5[%dma_start3A_205] : memref<3216xi32, #tpu.memory_space<vmem>> -> memref<160xi32, #tpu.memory_space<vmem>>
    %dma_start3A_207 = tpu.memref_slice %arg3[%multiple_of3A_90] : memref<100000xi32, #tpu.memory_space<hbm>> -> memref<160xi32, #tpu.memory_space<hbm>>
    tpu.enqueue_dma source(%dma_start3A_207 : memref<160xi32, #tpu.memory_space<hbm>>) target(%dma_start3A_206 : memref<160xi32, #tpu.memory_space<vmem>>) target_semaphore(%arg9 : memref<!tpu.dma_semaphore, #tpu.memory_space<semaphore_mem>>)
    %dma_start3A_208 = arith.constant 2880 : i32
    %dma_start3A_209 = tpu.memref_slice %arg5[%dma_start3A_208] : memref<3216xi32, #tpu.memory_space<vmem>> -> memref<160xi32, #tpu.memory_space<vmem>>
    %dma_start3A_210 = tpu.memref_slice %arg3[%multiple_of3A_95] : memref<100000xi32, #tpu.memory_space<hbm>> -> memref<160xi32, #tpu.memory_space<hbm>>
    %dma_start3A_211 = arith.constant 2880 : i32
    %dma_start3A_212 = tpu.memref_slice %arg5[%dma_start3A_211] : memref<3216xi32, #tpu.memory_space<vmem>> -> memref<160xi32, #tpu.memory_space<vmem>>
    %dma_start3A_213 = tpu.memref_slice %arg3[%multiple_of3A_95] : memref<100000xi32, #tpu.memory_space<hbm>> -> memref<160xi32, #tpu.memory_space<hbm>>
    tpu.enqueue_dma source(%dma_start3A_213 : memref<160xi32, #tpu.memory_space<hbm>>) target(%dma_start3A_212 : memref<160xi32, #tpu.memory_space<vmem>>) target_semaphore(%arg9 : memref<!tpu.dma_semaphore, #tpu.memory_space<semaphore_mem>>)
    %convert_element_type3A = arith.extui %lt3A_1 : i1 to i32
    %cond3A = arith.constant 0 : i32
    %cond3A_214 = arith.cmpi ne, %convert_element_type3A, %cond3A : i32
    scf.if %cond3A_214 {
      %dma_start3A_355 = arith.constant 3040 : i32
      %dma_start3A_356 = tpu.memref_slice %arg5[%dma_start3A_355] : memref<3216xi32, #tpu.memory_space<vmem>> -> memref<160xi32, #tpu.memory_space<vmem>>
      %dma_start3A_357 = tpu.memref_slice %arg3[%multiple_of3A_100] : memref<100000xi32, #tpu.memory_space<hbm>> -> memref<160xi32, #tpu.memory_space<hbm>>
      %dma_start3A_358 = arith.constant 3040 : i32
      %dma_start3A_359 = tpu.memref_slice %arg5[%dma_start3A_358] : memref<3216xi32, #tpu.memory_space<vmem>> -> memref<160xi32, #tpu.memory_space<vmem>>
      %dma_start3A_360 = tpu.memref_slice %arg3[%multiple_of3A_100] : memref<100000xi32, #tpu.memory_space<hbm>> -> memref<160xi32, #tpu.memory_space<hbm>>
      tpu.enqueue_dma source(%dma_start3A_360 : memref<160xi32, #tpu.memory_space<hbm>>) target(%dma_start3A_359 : memref<160xi32, #tpu.memory_space<vmem>>) target_semaphore(%arg9 : memref<!tpu.dma_semaphore, #tpu.memory_space<semaphore_mem>>)
    } else {
    }
    tpu.wait_dma2 semaphore(%arg9 : memref<!tpu.dma_semaphore, #tpu.memory_space<semaphore_mem>>) src(%arg2 : memref<24320xf32, #tpu.memory_space<hbm>>) dst(%arg6 : memref<24320xf32, #tpu.memory_space<vmem>>)
    %dma_wait3A = arith.constant 0 : i32
    %dma_wait3A_215 = tpu.memref_slice %arg5[%dma_wait3A] : memref<3216xi32, #tpu.memory_space<vmem>> -> memref<160xi32, #tpu.memory_space<vmem>>
    %dma_wait3A_216 = tpu.memref_slice %arg3[%multiple_of3A] : memref<100000xi32, #tpu.memory_space<hbm>> -> memref<160xi32, #tpu.memory_space<hbm>>
    %dma_wait3A_217 = arith.constant 0 : i32
    %dma_wait3A_218 = tpu.memref_slice %arg5[%dma_wait3A_217] : memref<3216xi32, #tpu.memory_space<vmem>> -> memref<160xi32, #tpu.memory_space<vmem>>
    %dma_wait3A_219 = tpu.memref_slice %arg3[%multiple_of3A] : memref<100000xi32, #tpu.memory_space<hbm>> -> memref<160xi32, #tpu.memory_space<hbm>>
    tpu.wait_dma2 semaphore(%arg9 : memref<!tpu.dma_semaphore, #tpu.memory_space<semaphore_mem>>) src(%dma_wait3A_219 : memref<160xi32, #tpu.memory_space<hbm>>) dst(%dma_wait3A_218 : memref<160xi32, #tpu.memory_space<vmem>>)
    %dma_wait3A_220 = arith.constant 160 : i32
    %dma_wait3A_221 = tpu.memref_slice %arg5[%dma_wait3A_220] : memref<3216xi32, #tpu.memory_space<vmem>> -> memref<160xi32, #tpu.memory_space<vmem>>
    %dma_wait3A_222 = tpu.memref_slice %arg3[%multiple_of3A_10] : memref<100000xi32, #tpu.memory_space<hbm>> -> memref<160xi32, #tpu.memory_space<hbm>>
    %dma_wait3A_223 = arith.constant 160 : i32
    %dma_wait3A_224 = tpu.memref_slice %arg5[%dma_wait3A_223] : memref<3216xi32, #tpu.memory_space<vmem>> -> memref<160xi32, #tpu.memory_space<vmem>>
    %dma_wait3A_225 = tpu.memref_slice %arg3[%multiple_of3A_10] : memref<100000xi32, #tpu.memory_space<hbm>> -> memref<160xi32, #tpu.memory_space<hbm>>
    tpu.wait_dma2 semaphore(%arg9 : memref<!tpu.dma_semaphore, #tpu.memory_space<semaphore_mem>>) src(%dma_wait3A_225 : memref<160xi32, #tpu.memory_space<hbm>>) dst(%dma_wait3A_224 : memref<160xi32, #tpu.memory_space<vmem>>)
    %dma_wait3A_226 = arith.constant 320 : i32
    %dma_wait3A_227 = tpu.memref_slice %arg5[%dma_wait3A_226] : memref<3216xi32, #tpu.memory_space<vmem>> -> memref<160xi32, #tpu.memory_space<vmem>>
    %dma_wait3A_228 = tpu.memref_slice %arg3[%multiple_of3A_15] : memref<100000xi32, #tpu.memory_space<hbm>> -> memref<160xi32, #tpu.memory_space<hbm>>
    %dma_wait3A_229 = arith.constant 320 : i32
    %dma_wait3A_230 = tpu.memref_slice %arg5[%dma_wait3A_229] : memref<3216xi32, #tpu.memory_space<vmem>> -> memref<160xi32, #tpu.memory_space<vmem>>
    %dma_wait3A_231 = tpu.memref_slice %arg3[%multiple_of3A_15] : memref<100000xi32, #tpu.memory_space<hbm>> -> memref<160xi32, #tpu.memory_space<hbm>>
    tpu.wait_dma2 semaphore(%arg9 : memref<!tpu.dma_semaphore, #tpu.memory_space<semaphore_mem>>) src(%dma_wait3A_231 : memref<160xi32, #tpu.memory_space<hbm>>) dst(%dma_wait3A_230 : memref<160xi32, #tpu.memory_space<vmem>>)
    %dma_wait3A_232 = arith.constant 480 : i32
    %dma_wait3A_233 = tpu.memref_slice %arg5[%dma_wait3A_232] : memref<3216xi32, #tpu.memory_space<vmem>> -> memref<160xi32, #tpu.memory_space<vmem>>
    %dma_wait3A_234 = tpu.memref_slice %arg3[%multiple_of3A_20] : memref<100000xi32, #tpu.memory_space<hbm>> -> memref<160xi32, #tpu.memory_space<hbm>>
    %dma_wait3A_235 = arith.constant 480 : i32
    %dma_wait3A_236 = tpu.memref_slice %arg5[%dma_wait3A_235] : memref<3216xi32, #tpu.memory_space<vmem>> -> memref<160xi32, #tpu.memory_space<vmem>>
    %dma_wait3A_237 = tpu.memref_slice %arg3[%multiple_of3A_20] : memref<100000xi32, #tpu.memory_space<hbm>> -> memref<160xi32, #tpu.memory_space<hbm>>
    tpu.wait_dma2 semaphore(%arg9 : memref<!tpu.dma_semaphore, #tpu.memory_space<semaphore_mem>>) src(%dma_wait3A_237 : memref<160xi32, #tpu.memory_space<hbm>>) dst(%dma_wait3A_236 : memref<160xi32, #tpu.memory_space<vmem>>)
    %dma_wait3A_238 = arith.constant 640 : i32
    %dma_wait3A_239 = tpu.memref_slice %arg5[%dma_wait3A_238] : memref<3216xi32, #tpu.memory_space<vmem>> -> memref<160xi32, #tpu.memory_space<vmem>>
    %dma_wait3A_240 = tpu.memref_slice %arg3[%multiple_of3A_25] : memref<100000xi32, #tpu.memory_space<hbm>> -> memref<160xi32, #tpu.memory_space<hbm>>
    %dma_wait3A_241 = arith.constant 640 : i32
    %dma_wait3A_242 = tpu.memref_slice %arg5[%dma_wait3A_241] : memref<3216xi32, #tpu.memory_space<vmem>> -> memref<160xi32, #tpu.memory_space<vmem>>
    %dma_wait3A_243 = tpu.memref_slice %arg3[%multiple_of3A_25] : memref<100000xi32, #tpu.memory_space<hbm>> -> memref<160xi32, #tpu.memory_space<hbm>>
    tpu.wait_dma2 semaphore(%arg9 : memref<!tpu.dma_semaphore, #tpu.memory_space<semaphore_mem>>) src(%dma_wait3A_243 : memref<160xi32, #tpu.memory_space<hbm>>) dst(%dma_wait3A_242 : memref<160xi32, #tpu.memory_space<vmem>>)
    %dma_wait3A_244 = arith.constant 800 : i32
    %dma_wait3A_245 = tpu.memref_slice %arg5[%dma_wait3A_244] : memref<3216xi32, #tpu.memory_space<vmem>> -> memref<160xi32, #tpu.memory_space<vmem>>
    %dma_wait3A_246 = tpu.memref_slice %arg3[%multiple_of3A_30] : memref<100000xi32, #tpu.memory_space<hbm>> -> memref<160xi32, #tpu.memory_space<hbm>>
    %dma_wait3A_247 = arith.constant 800 : i32
    %dma_wait3A_248 = tpu.memref_slice %arg5[%dma_wait3A_247] : memref<3216xi32, #tpu.memory_space<vmem>> -> memref<160xi32, #tpu.memory_space<vmem>>
    %dma_wait3A_249 = tpu.memref_slice %arg3[%multiple_of3A_30] : memref<100000xi32, #tpu.memory_space<hbm>> -> memref<160xi32, #tpu.memory_space<hbm>>
    tpu.wait_dma2 semaphore(%arg9 : memref<!tpu.dma_semaphore, #tpu.memory_space<semaphore_mem>>) src(%dma_wait3A_249 : memref<160xi32, #tpu.memory_space<hbm>>) dst(%dma_wait3A_248 : memref<160xi32, #tpu.memory_space<vmem>>)
    %dma_wait3A_250 = arith.constant 960 : i32
    %dma_wait3A_251 = tpu.memref_slice %arg5[%dma_wait3A_250] : memref<3216xi32, #tpu.memory_space<vmem>> -> memref<160xi32, #tpu.memory_space<vmem>>
    %dma_wait3A_252 = tpu.memref_slice %arg3[%multiple_of3A_35] : memref<100000xi32, #tpu.memory_space<hbm>> -> memref<160xi32, #tpu.memory_space<hbm>>
    %dma_wait3A_253 = arith.constant 960 : i32
    %dma_wait3A_254 = tpu.memref_slice %arg5[%dma_wait3A_253] : memref<3216xi32, #tpu.memory_space<vmem>> -> memref<160xi32, #tpu.memory_space<vmem>>
    %dma_wait3A_255 = tpu.memref_slice %arg3[%multiple_of3A_35] : memref<100000xi32, #tpu.memory_space<hbm>> -> memref<160xi32, #tpu.memory_space<hbm>>
    tpu.wait_dma2 semaphore(%arg9 : memref<!tpu.dma_semaphore, #tpu.memory_space<semaphore_mem>>) src(%dma_wait3A_255 : memref<160xi32, #tpu.memory_space<hbm>>) dst(%dma_wait3A_254 : memref<160xi32, #tpu.memory_space<vmem>>)
    %dma_wait3A_256 = arith.constant 1120 : i32
    %dma_wait3A_257 = tpu.memref_slice %arg5[%dma_wait3A_256] : memref<3216xi32, #tpu.memory_space<vmem>> -> memref<160xi32, #tpu.memory_space<vmem>>
    %dma_wait3A_258 = tpu.memref_slice %arg3[%multiple_of3A_40] : memref<100000xi32, #tpu.memory_space<hbm>> -> memref<160xi32, #tpu.memory_space<hbm>>
    %dma_wait3A_259 = arith.constant 1120 : i32
    %dma_wait3A_260 = tpu.memref_slice %arg5[%dma_wait3A_259] : memref<3216xi32, #tpu.memory_space<vmem>> -> memref<160xi32, #tpu.memory_space<vmem>>
    %dma_wait3A_261 = tpu.memref_slice %arg3[%multiple_of3A_40] : memref<100000xi32, #tpu.memory_space<hbm>> -> memref<160xi32, #tpu.memory_space<hbm>>
    tpu.wait_dma2 semaphore(%arg9 : memref<!tpu.dma_semaphore, #tpu.memory_space<semaphore_mem>>) src(%dma_wait3A_261 : memref<160xi32, #tpu.memory_space<hbm>>) dst(%dma_wait3A_260 : memref<160xi32, #tpu.memory_space<vmem>>)
    %dma_wait3A_262 = arith.constant 1280 : i32
    %dma_wait3A_263 = tpu.memref_slice %arg5[%dma_wait3A_262] : memref<3216xi32, #tpu.memory_space<vmem>> -> memref<160xi32, #tpu.memory_space<vmem>>
    %dma_wait3A_264 = tpu.memref_slice %arg3[%multiple_of3A_45] : memref<100000xi32, #tpu.memory_space<hbm>> -> memref<160xi32, #tpu.memory_space<hbm>>
    %dma_wait3A_265 = arith.constant 1280 : i32
    %dma_wait3A_266 = tpu.memref_slice %arg5[%dma_wait3A_265] : memref<3216xi32, #tpu.memory_space<vmem>> -> memref<160xi32, #tpu.memory_space<vmem>>
    %dma_wait3A_267 = tpu.memref_slice %arg3[%multiple_of3A_45] : memref<100000xi32, #tpu.memory_space<hbm>> -> memref<160xi32, #tpu.memory_space<hbm>>
    tpu.wait_dma2 semaphore(%arg9 : memref<!tpu.dma_semaphore, #tpu.memory_space<semaphore_mem>>) src(%dma_wait3A_267 : memref<160xi32, #tpu.memory_space<hbm>>) dst(%dma_wait3A_266 : memref<160xi32, #tpu.memory_space<vmem>>)
    %dma_wait3A_268 = arith.constant 1440 : i32
    %dma_wait3A_269 = tpu.memref_slice %arg5[%dma_wait3A_268] : memref<3216xi32, #tpu.memory_space<vmem>> -> memref<160xi32, #tpu.memory_space<vmem>>
    %dma_wait3A_270 = tpu.memref_slice %arg3[%multiple_of3A_50] : memref<100000xi32, #tpu.memory_space<hbm>> -> memref<160xi32, #tpu.memory_space<hbm>>
    %dma_wait3A_271 = arith.constant 1440 : i32
    %dma_wait3A_272 = tpu.memref_slice %arg5[%dma_wait3A_271] : memref<3216xi32, #tpu.memory_space<vmem>> -> memref<160xi32, #tpu.memory_space<vmem>>
    %dma_wait3A_273 = tpu.memref_slice %arg3[%multiple_of3A_50] : memref<100000xi32, #tpu.memory_space<hbm>> -> memref<160xi32, #tpu.memory_space<hbm>>
    tpu.wait_dma2 semaphore(%arg9 : memref<!tpu.dma_semaphore, #tpu.memory_space<semaphore_mem>>) src(%dma_wait3A_273 : memref<160xi32, #tpu.memory_space<hbm>>) dst(%dma_wait3A_272 : memref<160xi32, #tpu.memory_space<vmem>>)
    %dma_wait3A_274 = arith.constant 1600 : i32
    %dma_wait3A_275 = tpu.memref_slice %arg5[%dma_wait3A_274] : memref<3216xi32, #tpu.memory_space<vmem>> -> memref<160xi32, #tpu.memory_space<vmem>>
    %dma_wait3A_276 = tpu.memref_slice %arg3[%multiple_of3A_55] : memref<100000xi32, #tpu.memory_space<hbm>> -> memref<160xi32, #tpu.memory_space<hbm>>
    %dma_wait3A_277 = arith.constant 1600 : i32
    %dma_wait3A_278 = tpu.memref_slice %arg5[%dma_wait3A_277] : memref<3216xi32, #tpu.memory_space<vmem>> -> memref<160xi32, #tpu.memory_space<vmem>>
    %dma_wait3A_279 = tpu.memref_slice %arg3[%multiple_of3A_55] : memref<100000xi32, #tpu.memory_space<hbm>> -> memref<160xi32, #tpu.memory_space<hbm>>
    tpu.wait_dma2 semaphore(%arg9 : memref<!tpu.dma_semaphore, #tpu.memory_space<semaphore_mem>>) src(%dma_wait3A_279 : memref<160xi32, #tpu.memory_space<hbm>>) dst(%dma_wait3A_278 : memref<160xi32, #tpu.memory_space<vmem>>)
    %dma_wait3A_280 = arith.constant 1760 : i32
    %dma_wait3A_281 = tpu.memref_slice %arg5[%dma_wait3A_280] : memref<3216xi32, #tpu.memory_space<vmem>> -> memref<160xi32, #tpu.memory_space<vmem>>
    %dma_wait3A_282 = tpu.memref_slice %arg3[%multiple_of3A_60] : memref<100000xi32, #tpu.memory_space<hbm>> -> memref<160xi32, #tpu.memory_space<hbm>>
    %dma_wait3A_283 = arith.constant 1760 : i32
    %dma_wait3A_284 = tpu.memref_slice %arg5[%dma_wait3A_283] : memref<3216xi32, #tpu.memory_space<vmem>> -> memref<160xi32, #tpu.memory_space<vmem>>
    %dma_wait3A_285 = tpu.memref_slice %arg3[%multiple_of3A_60] : memref<100000xi32, #tpu.memory_space<hbm>> -> memref<160xi32, #tpu.memory_space<hbm>>
    tpu.wait_dma2 semaphore(%arg9 : memref<!tpu.dma_semaphore, #tpu.memory_space<semaphore_mem>>) src(%dma_wait3A_285 : memref<160xi32, #tpu.memory_space<hbm>>) dst(%dma_wait3A_284 : memref<160xi32, #tpu.memory_space<vmem>>)
    %dma_wait3A_286 = arith.constant 1920 : i32
    %dma_wait3A_287 = tpu.memref_slice %arg5[%dma_wait3A_286] : memref<3216xi32, #tpu.memory_space<vmem>> -> memref<160xi32, #tpu.memory_space<vmem>>
    %dma_wait3A_288 = tpu.memref_slice %arg3[%multiple_of3A_65] : memref<100000xi32, #tpu.memory_space<hbm>> -> memref<160xi32, #tpu.memory_space<hbm>>
    %dma_wait3A_289 = arith.constant 1920 : i32
    %dma_wait3A_290 = tpu.memref_slice %arg5[%dma_wait3A_289] : memref<3216xi32, #tpu.memory_space<vmem>> -> memref<160xi32, #tpu.memory_space<vmem>>
    %dma_wait3A_291 = tpu.memref_slice %arg3[%multiple_of3A_65] : memref<100000xi32, #tpu.memory_space<hbm>> -> memref<160xi32, #tpu.memory_space<hbm>>
    tpu.wait_dma2 semaphore(%arg9 : memref<!tpu.dma_semaphore, #tpu.memory_space<semaphore_mem>>) src(%dma_wait3A_291 : memref<160xi32, #tpu.memory_space<hbm>>) dst(%dma_wait3A_290 : memref<160xi32, #tpu.memory_space<vmem>>)
    %dma_wait3A_292 = arith.constant 2080 : i32
    %dma_wait3A_293 = tpu.memref_slice %arg5[%dma_wait3A_292] : memref<3216xi32, #tpu.memory_space<vmem>> -> memref<160xi32, #tpu.memory_space<vmem>>
    %dma_wait3A_294 = tpu.memref_slice %arg3[%multiple_of3A_70] : memref<100000xi32, #tpu.memory_space<hbm>> -> memref<160xi32, #tpu.memory_space<hbm>>
    %dma_wait3A_295 = arith.constant 2080 : i32
    %dma_wait3A_296 = tpu.memref_slice %arg5[%dma_wait3A_295] : memref<3216xi32, #tpu.memory_space<vmem>> -> memref<160xi32, #tpu.memory_space<vmem>>
    %dma_wait3A_297 = tpu.memref_slice %arg3[%multiple_of3A_70] : memref<100000xi32, #tpu.memory_space<hbm>> -> memref<160xi32, #tpu.memory_space<hbm>>
    tpu.wait_dma2 semaphore(%arg9 : memref<!tpu.dma_semaphore, #tpu.memory_space<semaphore_mem>>) src(%dma_wait3A_297 : memref<160xi32, #tpu.memory_space<hbm>>) dst(%dma_wait3A_296 : memref<160xi32, #tpu.memory_space<vmem>>)
    %dma_wait3A_298 = arith.constant 2240 : i32
    %dma_wait3A_299 = tpu.memref_slice %arg5[%dma_wait3A_298] : memref<3216xi32, #tpu.memory_space<vmem>> -> memref<160xi32, #tpu.memory_space<vmem>>
    %dma_wait3A_300 = tpu.memref_slice %arg3[%multiple_of3A_75] : memref<100000xi32, #tpu.memory_space<hbm>> -> memref<160xi32, #tpu.memory_space<hbm>>
    %dma_wait3A_301 = arith.constant 2240 : i32
    %dma_wait3A_302 = tpu.memref_slice %arg5[%dma_wait3A_301] : memref<3216xi32, #tpu.memory_space<vmem>> -> memref<160xi32, #tpu.memory_space<vmem>>
    %dma_wait3A_303 = tpu.memref_slice %arg3[%multiple_of3A_75] : memref<100000xi32, #tpu.memory_space<hbm>> -> memref<160xi32, #tpu.memory_space<hbm>>
    tpu.wait_dma2 semaphore(%arg9 : memref<!tpu.dma_semaphore, #tpu.memory_space<semaphore_mem>>) src(%dma_wait3A_303 : memref<160xi32, #tpu.memory_space<hbm>>) dst(%dma_wait3A_302 : memref<160xi32, #tpu.memory_space<vmem>>)
    %dma_wait3A_304 = arith.constant 2400 : i32
    %dma_wait3A_305 = tpu.memref_slice %arg5[%dma_wait3A_304] : memref<3216xi32, #tpu.memory_space<vmem>> -> memref<160xi32, #tpu.memory_space<vmem>>
    %dma_wait3A_306 = tpu.memref_slice %arg3[%multiple_of3A_80] : memref<100000xi32, #tpu.memory_space<hbm>> -> memref<160xi32, #tpu.memory_space<hbm>>
    %dma_wait3A_307 = arith.constant 2400 : i32
    %dma_wait3A_308 = tpu.memref_slice %arg5[%dma_wait3A_307] : memref<3216xi32, #tpu.memory_space<vmem>> -> memref<160xi32, #tpu.memory_space<vmem>>
    %dma_wait3A_309 = tpu.memref_slice %arg3[%multiple_of3A_80] : memref<100000xi32, #tpu.memory_space<hbm>> -> memref<160xi32, #tpu.memory_space<hbm>>
    tpu.wait_dma2 semaphore(%arg9 : memref<!tpu.dma_semaphore, #tpu.memory_space<semaphore_mem>>) src(%dma_wait3A_309 : memref<160xi32, #tpu.memory_space<hbm>>) dst(%dma_wait3A_308 : memref<160xi32, #tpu.memory_space<vmem>>)
    %dma_wait3A_310 = arith.constant 2560 : i32
    %dma_wait3A_311 = tpu.memref_slice %arg5[%dma_wait3A_310] : memref<3216xi32, #tpu.memory_space<vmem>> -> memref<160xi32, #tpu.memory_space<vmem>>
    %dma_wait3A_312 = tpu.memref_slice %arg3[%multiple_of3A_85] : memref<100000xi32, #tpu.memory_space<hbm>> -> memref<160xi32, #tpu.memory_space<hbm>>
    %dma_wait3A_313 = arith.constant 2560 : i32
    %dma_wait3A_314 = tpu.memref_slice %arg5[%dma_wait3A_313] : memref<3216xi32, #tpu.memory_space<vmem>> -> memref<160xi32, #tpu.memory_space<vmem>>
    %dma_wait3A_315 = tpu.memref_slice %arg3[%multiple_of3A_85] : memref<100000xi32, #tpu.memory_space<hbm>> -> memref<160xi32, #tpu.memory_space<hbm>>
    tpu.wait_dma2 semaphore(%arg9 : memref<!tpu.dma_semaphore, #tpu.memory_space<semaphore_mem>>) src(%dma_wait3A_315 : memref<160xi32, #tpu.memory_space<hbm>>) dst(%dma_wait3A_314 : memref<160xi32, #tpu.memory_space<vmem>>)
    %dma_wait3A_316 = arith.constant 2720 : i32
    %dma_wait3A_317 = tpu.memref_slice %arg5[%dma_wait3A_316] : memref<3216xi32, #tpu.memory_space<vmem>> -> memref<160xi32, #tpu.memory_space<vmem>>
    %dma_wait3A_318 = tpu.memref_slice %arg3[%multiple_of3A_90] : memref<100000xi32, #tpu.memory_space<hbm>> -> memref<160xi32, #tpu.memory_space<hbm>>
    %dma_wait3A_319 = arith.constant 2720 : i32
    %dma_wait3A_320 = tpu.memref_slice %arg5[%dma_wait3A_319] : memref<3216xi32, #tpu.memory_space<vmem>> -> memref<160xi32, #tpu.memory_space<vmem>>
    %dma_wait3A_321 = tpu.memref_slice %arg3[%multiple_of3A_90] : memref<100000xi32, #tpu.memory_space<hbm>> -> memref<160xi32, #tpu.memory_space<hbm>>
    tpu.wait_dma2 semaphore(%arg9 : memref<!tpu.dma_semaphore, #tpu.memory_space<semaphore_mem>>) src(%dma_wait3A_321 : memref<160xi32, #tpu.memory_space<hbm>>) dst(%dma_wait3A_320 : memref<160xi32, #tpu.memory_space<vmem>>)
    %dma_wait3A_322 = arith.constant 2880 : i32
    %dma_wait3A_323 = tpu.memref_slice %arg5[%dma_wait3A_322] : memref<3216xi32, #tpu.memory_space<vmem>> -> memref<160xi32, #tpu.memory_space<vmem>>
    %dma_wait3A_324 = tpu.memref_slice %arg3[%multiple_of3A_95] : memref<100000xi32, #tpu.memory_space<hbm>> -> memref<160xi32, #tpu.memory_space<hbm>>
    %dma_wait3A_325 = arith.constant 2880 : i32
    %dma_wait3A_326 = tpu.memref_slice %arg5[%dma_wait3A_325] : memref<3216xi32, #tpu.memory_space<vmem>> -> memref<160xi32, #tpu.memory_space<vmem>>
    %dma_wait3A_327 = tpu.memref_slice %arg3[%multiple_of3A_95] : memref<100000xi32, #tpu.memory_space<hbm>> -> memref<160xi32, #tpu.memory_space<hbm>>
    tpu.wait_dma2 semaphore(%arg9 : memref<!tpu.dma_semaphore, #tpu.memory_space<semaphore_mem>>) src(%dma_wait3A_327 : memref<160xi32, #tpu.memory_space<hbm>>) dst(%dma_wait3A_326 : memref<160xi32, #tpu.memory_space<vmem>>)
    %convert_element_type3A_328 = arith.extui %lt3A_1 : i1 to i32
    %cond3A_329 = arith.constant 0 : i32
    %cond3A_330 = arith.cmpi ne, %convert_element_type3A_328, %cond3A_329 : i32
    scf.if %cond3A_330 {
      %dma_wait3A_355 = arith.constant 3040 : i32
      %dma_wait3A_356 = tpu.memref_slice %arg5[%dma_wait3A_355] : memref<3216xi32, #tpu.memory_space<vmem>> -> memref<160xi32, #tpu.memory_space<vmem>>
      %dma_wait3A_357 = tpu.memref_slice %arg3[%multiple_of3A_100] : memref<100000xi32, #tpu.memory_space<hbm>> -> memref<160xi32, #tpu.memory_space<hbm>>
      %dma_wait3A_358 = arith.constant 3040 : i32
      %dma_wait3A_359 = tpu.memref_slice %arg5[%dma_wait3A_358] : memref<3216xi32, #tpu.memory_space<vmem>> -> memref<160xi32, #tpu.memory_space<vmem>>
      %dma_wait3A_360 = tpu.memref_slice %arg3[%multiple_of3A_100] : memref<100000xi32, #tpu.memory_space<hbm>> -> memref<160xi32, #tpu.memory_space<hbm>>
      tpu.wait_dma2 semaphore(%arg9 : memref<!tpu.dma_semaphore, #tpu.memory_space<semaphore_mem>>) src(%dma_wait3A_360 : memref<160xi32, #tpu.memory_space<hbm>>) dst(%dma_wait3A_359 : memref<160xi32, #tpu.memory_space<vmem>>)
    } else {
    }
    %iota3A = tpu.iota {dimensions = array<i32: 0>} : vector<16xi32>
    %scan3A = arith.constant 0 : i32
    %scan3A_331 = arith.constant 0 : i32
    %scan3A_332 = arith.constant 10 : i32
    %scan3A_333 = arith.addi %scan3A_331, %scan3A_332 : i32
    %scan3A_334 = arith.constant 1 : i32
    scf.for %scan3A_355 = %scan3A_331 to %scan3A_333 step %scan3A_334  : i32 {
      %lt3A_356 = arith.constant 9 : i32
      %lt3A_357 = arith.cmpi slt, %scan3A_355, %lt3A_356 : i32
      %or3A = arith.ori %lt3A_357, %lt3A_1 : i1
      %mul3A_358 = arith.constant 2 : i32
      %mul3A_359 = arith.muli %mul3A_358, %scan3A_355 : i32
      %add3A_360 = arith.constant 0 : i32
      %add3A_361 = arith.addi %mul3A_359, %add3A_360 : i32
      %gt3A = arith.constant 0 : i32
      %gt3A_362 = arith.cmpi sgt, %scan3A_355, %gt3A : i32
      %add3A_363 = arith.constant 0 : i32
      %add3A_364 = arith.addi %add3A, %add3A_363 : i32
      %mul3A_365 = arith.constant 160 : i32
      %mul3A_366 = arith.muli %add3A_364, %mul3A_365 : i32
      %mul3A_367 = arith.constant 256 : i32
      %mul3A_368 = arith.muli %mul3A_366, %mul3A_367 : i32
      %multiple_of3A_369 = tpu.assume_multiple %mul3A_368, 40960 : i32
      %convert_element_type3A_370 = arith.extui %gt3A_362 : i1 to i32
      %cond3A_371 = arith.constant 0 : i32
      %cond3A_372 = arith.cmpi ne, %convert_element_type3A_370, %cond3A_371 : i32
      scf.if %cond3A_372 {
        %dma_wait3A_404 = tpu.memref_slice %arg4[%multiple_of3A_369] : memref<25600000xf32, #tpu.memory_space<hbm>> -> memref<40960xf32, #tpu.memory_space<hbm>>
        %dma_wait3A_405 = tpu.memref_slice %arg4[%multiple_of3A_369] : memref<25600000xf32, #tpu.memory_space<hbm>> -> memref<40960xf32, #tpu.memory_space<hbm>>
        tpu.wait_dma2 semaphore(%arg10 : memref<!tpu.dma_semaphore, #tpu.memory_space<semaphore_mem>>) src(%arg7 : memref<40960xf32, #tpu.memory_space<vmem>>) dst(%dma_wait3A_405 : memref<40960xf32, #tpu.memory_space<hbm>>)
      } else {
      }
      %parallel_loop3A = arith.constant 0 : i32
      %parallel_loop3A_373 = arith.constant 160 : i32
      %parallel_loop3A_374 = arith.constant 1 : i32
      scf.for %parallel_loop3A_404 = %parallel_loop3A to %parallel_loop3A_373 step %parallel_loop3A_374  : i32 {
        %parallel_loop3A_405 = arith.constant 160 : i32
        %parallel_loop3A_406 = arith.muli %add3A_361, %parallel_loop3A_405 : i32
        %parallel_loop3A_407 = arith.addi %parallel_loop3A_406, %parallel_loop3A_404 : i32
        %parallel_loop3A_408 = arith.index_cast %parallel_loop3A_407 : i32 to index
        %parallel_loop3A_409 = tpu.vector_load %arg5[%parallel_loop3A_408] {strides = array<i32>} : memref<3216xi32, #tpu.memory_space<vmem>>, vector<16xi32>,
        %parallel_loop3A_410 = vector.extract_strided_slice %parallel_loop3A_409 {offsets = [0], sizes = [1], strides = [1]} : vector<16xi32> to vector<1xi32>
        %parallel_loop3A_411 = vector.extract %parallel_loop3A_410[0] : i32 from vector<1xi32>
        %parallel_loop3A_412 = arith.constant 256 : i32
        %parallel_loop3A_413 = arith.muli %parallel_loop3A_411, %parallel_loop3A_412 : i32
        %parallel_loop3A_414 = arith.constant 256 : i32
        %parallel_loop3A_415 = arith.muli %parallel_loop3A_404, %parallel_loop3A_414 : i32
        %parallel_loop3A_416 = arith.constant 0 : i32
        %parallel_loop3A_417 = arith.addi %parallel_loop3A_413, %parallel_loop3A_416 : i32
        %parallel_loop3A_418 = arith.index_cast %parallel_loop3A_417 : i32 to index
        %parallel_loop3A_419 = tpu.vector_load %arg6[%parallel_loop3A_418] {strides = array<i32>} : memref<24320xf32, #tpu.memory_space<vmem>>, vector<16xf32>,
        %parallel_loop3A_420 = arith.constant 0 : i32
        %parallel_loop3A_421 = arith.addi %parallel_loop3A_415, %parallel_loop3A_420 : i32
        %parallel_loop3A_422 = arith.index_cast %parallel_loop3A_421 : i32 to index
        %parallel_loop3A_423 = tpu.vector_load %arg7[%parallel_loop3A_422] {strides = array<i32>} : memref<40960xf32, #tpu.memory_space<vmem>>, vector<16xf32>,
        tpu.vector_store %arg7[%parallel_loop3A_422], %parallel_loop3A_419 {strides = array<i32>} : memref<40960xf32, #tpu.memory_space<vmem>>, vector<16xf32>,
        %parallel_loop3A_424 = arith.constant 16 : i32
        %parallel_loop3A_425 = arith.addi %parallel_loop3A_413, %parallel_loop3A_424 : i32
        %parallel_loop3A_426 = arith.index_cast %parallel_loop3A_425 : i32 to index
        %parallel_loop3A_427 = tpu.vector_load %arg6[%parallel_loop3A_426] {strides = array<i32>} : memref<24320xf32, #tpu.memory_space<vmem>>, vector<16xf32>,
        %parallel_loop3A_428 = arith.constant 16 : i32
        %parallel_loop3A_429 = arith.addi %parallel_loop3A_415, %parallel_loop3A_428 : i32
        %parallel_loop3A_430 = arith.index_cast %parallel_loop3A_429 : i32 to index
        %parallel_loop3A_431 = tpu.vector_load %arg7[%parallel_loop3A_430] {strides = array<i32>} : memref<40960xf32, #tpu.memory_space<vmem>>, vector<16xf32>,
        tpu.vector_store %arg7[%parallel_loop3A_430], %parallel_loop3A_427 {strides = array<i32>} : memref<40960xf32, #tpu.memory_space<vmem>>, vector<16xf32>,
        %parallel_loop3A_432 = arith.constant 32 : i32
        %parallel_loop3A_433 = arith.addi %parallel_loop3A_413, %parallel_loop3A_432 : i32
        %parallel_loop3A_434 = arith.index_cast %parallel_loop3A_433 : i32 to index
        %parallel_loop3A_435 = tpu.vector_load %arg6[%parallel_loop3A_434] {strides = array<i32>} : memref<24320xf32, #tpu.memory_space<vmem>>, vector<16xf32>,
        %parallel_loop3A_436 = arith.constant 32 : i32
        %parallel_loop3A_437 = arith.addi %parallel_loop3A_415, %parallel_loop3A_436 : i32
        %parallel_loop3A_438 = arith.index_cast %parallel_loop3A_437 : i32 to index
        %parallel_loop3A_439 = tpu.vector_load %arg7[%parallel_loop3A_438] {strides = array<i32>} : memref<40960xf32, #tpu.memory_space<vmem>>, vector<16xf32>,
        tpu.vector_store %arg7[%parallel_loop3A_438], %parallel_loop3A_435 {strides = array<i32>} : memref<40960xf32, #tpu.memory_space<vmem>>, vector<16xf32>,
        %parallel_loop3A_440 = arith.constant 48 : i32
        %parallel_loop3A_441 = arith.addi %parallel_loop3A_413, %parallel_loop3A_440 : i32
        %parallel_loop3A_442 = arith.index_cast %parallel_loop3A_441 : i32 to index
        %parallel_loop3A_443 = tpu.vector_load %arg6[%parallel_loop3A_442] {strides = array<i32>} : memref<24320xf32, #tpu.memory_space<vmem>>, vector<16xf32>,
        %parallel_loop3A_444 = arith.constant 48 : i32
        %parallel_loop3A_445 = arith.addi %parallel_loop3A_415, %parallel_loop3A_444 : i32
        %parallel_loop3A_446 = arith.index_cast %parallel_loop3A_445 : i32 to index
        %parallel_loop3A_447 = tpu.vector_load %arg7[%parallel_loop3A_446] {strides = array<i32>} : memref<40960xf32, #tpu.memory_space<vmem>>, vector<16xf32>,
        tpu.vector_store %arg7[%parallel_loop3A_446], %parallel_loop3A_443 {strides = array<i32>} : memref<40960xf32, #tpu.memory_space<vmem>>, vector<16xf32>,
        %parallel_loop3A_448 = arith.constant 64 : i32
        %parallel_loop3A_449 = arith.addi %parallel_loop3A_413, %parallel_loop3A_448 : i32
        %parallel_loop3A_450 = arith.index_cast %parallel_loop3A_449 : i32 to index
        %parallel_loop3A_451 = tpu.vector_load %arg6[%parallel_loop3A_450] {strides = array<i32>} : memref<24320xf32, #tpu.memory_space<vmem>>, vector<16xf32>,
        %parallel_loop3A_452 = arith.constant 64 : i32
        %parallel_loop3A_453 = arith.addi %parallel_loop3A_415, %parallel_loop3A_452 : i32
        %parallel_loop3A_454 = arith.index_cast %parallel_loop3A_453 : i32 to index
        %parallel_loop3A_455 = tpu.vector_load %arg7[%parallel_loop3A_454] {strides = array<i32>} : memref<40960xf32, #tpu.memory_space<vmem>>, vector<16xf32>,
        tpu.vector_store %arg7[%parallel_loop3A_454], %parallel_loop3A_451 {strides = array<i32>} : memref<40960xf32, #tpu.memory_space<vmem>>, vector<16xf32>,
        %parallel_loop3A_456 = arith.constant 80 : i32
        %parallel_loop3A_457 = arith.addi %parallel_loop3A_413, %parallel_loop3A_456 : i32
        %parallel_loop3A_458 = arith.index_cast %parallel_loop3A_457 : i32 to index
        %parallel_loop3A_459 = tpu.vector_load %arg6[%parallel_loop3A_458] {strides = array<i32>} : memref<24320xf32, #tpu.memory_space<vmem>>, vector<16xf32>,
        %parallel_loop3A_460 = arith.constant 80 : i32
        %parallel_loop3A_461 = arith.addi %parallel_loop3A_415, %parallel_loop3A_460 : i32
        %parallel_loop3A_462 = arith.index_cast %parallel_loop3A_461 : i32 to index
        %parallel_loop3A_463 = tpu.vector_load %arg7[%parallel_loop3A_462] {strides = array<i32>} : memref<40960xf32, #tpu.memory_space<vmem>>, vector<16xf32>,
        tpu.vector_store %arg7[%parallel_loop3A_462], %parallel_loop3A_459 {strides = array<i32>} : memref<40960xf32, #tpu.memory_space<vmem>>, vector<16xf32>,
        %parallel_loop3A_464 = arith.constant 96 : i32
        %parallel_loop3A_465 = arith.addi %parallel_loop3A_413, %parallel_loop3A_464 : i32
        %parallel_loop3A_466 = arith.index_cast %parallel_loop3A_465 : i32 to index
        %parallel_loop3A_467 = tpu.vector_load %arg6[%parallel_loop3A_466] {strides = array<i32>} : memref<24320xf32, #tpu.memory_space<vmem>>, vector<16xf32>,
        %parallel_loop3A_468 = arith.constant 96 : i32
        %parallel_loop3A_469 = arith.addi %parallel_loop3A_415, %parallel_loop3A_468 : i32
        %parallel_loop3A_470 = arith.index_cast %parallel_loop3A_469 : i32 to index
        %parallel_loop3A_471 = tpu.vector_load %arg7[%parallel_loop3A_470] {strides = array<i32>} : memref<40960xf32, #tpu.memory_space<vmem>>, vector<16xf32>,
        tpu.vector_store %arg7[%parallel_loop3A_470], %parallel_loop3A_467 {strides = array<i32>} : memref<40960xf32, #tpu.memory_space<vmem>>, vector<16xf32>,
        %parallel_loop3A_472 = arith.constant 112 : i32
        %parallel_loop3A_473 = arith.addi %parallel_loop3A_413, %parallel_loop3A_472 : i32
        %parallel_loop3A_474 = arith.index_cast %parallel_loop3A_473 : i32 to index
        %parallel_loop3A_475 = tpu.vector_load %arg6[%parallel_loop3A_474] {strides = array<i32>} : memref<24320xf32, #tpu.memory_space<vmem>>, vector<16xf32>,
        %parallel_loop3A_476 = arith.constant 112 : i32
        %parallel_loop3A_477 = arith.addi %parallel_loop3A_415, %parallel_loop3A_476 : i32
        %parallel_loop3A_478 = arith.index_cast %parallel_loop3A_477 : i32 to index
        %parallel_loop3A_479 = tpu.vector_load %arg7[%parallel_loop3A_478] {strides = array<i32>} : memref<40960xf32, #tpu.memory_space<vmem>>, vector<16xf32>,
        tpu.vector_store %arg7[%parallel_loop3A_478], %parallel_loop3A_475 {strides = array<i32>} : memref<40960xf32, #tpu.memory_space<vmem>>, vector<16xf32>,
        %parallel_loop3A_480 = arith.constant 128 : i32
        %parallel_loop3A_481 = arith.addi %parallel_loop3A_413, %parallel_loop3A_480 : i32
        %parallel_loop3A_482 = arith.index_cast %parallel_loop3A_481 : i32 to index
        %parallel_loop3A_483 = tpu.vector_load %arg6[%parallel_loop3A_482] {strides = array<i32>} : memref<24320xf32, #tpu.memory_space<vmem>>, vector<16xf32>,
        %parallel_loop3A_484 = arith.constant 128 : i32
        %parallel_loop3A_485 = arith.addi %parallel_loop3A_415, %parallel_loop3A_484 : i32
        %parallel_loop3A_486 = arith.index_cast %parallel_loop3A_485 : i32 to index
        %parallel_loop3A_487 = tpu.vector_load %arg7[%parallel_loop3A_486] {strides = array<i32>} : memref<40960xf32, #tpu.memory_space<vmem>>, vector<16xf32>,
        tpu.vector_store %arg7[%parallel_loop3A_486], %parallel_loop3A_483 {strides = array<i32>} : memref<40960xf32, #tpu.memory_space<vmem>>, vector<16xf32>,
        %parallel_loop3A_488 = arith.constant 144 : i32
        %parallel_loop3A_489 = arith.addi %parallel_loop3A_413, %parallel_loop3A_488 : i32
        %parallel_loop3A_490 = arith.index_cast %parallel_loop3A_489 : i32 to index
        %parallel_loop3A_491 = tpu.vector_load %arg6[%parallel_loop3A_490] {strides = array<i32>} : memref<24320xf32, #tpu.memory_space<vmem>>, vector<16xf32>,
        %parallel_loop3A_492 = arith.constant 144 : i32
        %parallel_loop3A_493 = arith.addi %parallel_loop3A_415, %parallel_loop3A_492 : i32
        %parallel_loop3A_494 = arith.index_cast %parallel_loop3A_493 : i32 to index
        %parallel_loop3A_495 = tpu.vector_load %arg7[%parallel_loop3A_494] {strides = array<i32>} : memref<40960xf32, #tpu.memory_space<vmem>>, vector<16xf32>,
        tpu.vector_store %arg7[%parallel_loop3A_494], %parallel_loop3A_491 {strides = array<i32>} : memref<40960xf32, #tpu.memory_space<vmem>>, vector<16xf32>,
        %parallel_loop3A_496 = arith.constant 160 : i32
        %parallel_loop3A_497 = arith.addi %parallel_loop3A_413, %parallel_loop3A_496 : i32
        %parallel_loop3A_498 = arith.index_cast %parallel_loop3A_497 : i32 to index
        %parallel_loop3A_499 = tpu.vector_load %arg6[%parallel_loop3A_498] {strides = array<i32>} : memref<24320xf32, #tpu.memory_space<vmem>>, vector<16xf32>,
        %parallel_loop3A_500 = arith.constant 160 : i32
        %parallel_loop3A_501 = arith.addi %parallel_loop3A_415, %parallel_loop3A_500 : i32
        %parallel_loop3A_502 = arith.index_cast %parallel_loop3A_501 : i32 to index
        %parallel_loop3A_503 = tpu.vector_load %arg7[%parallel_loop3A_502] {strides = array<i32>} : memref<40960xf32, #tpu.memory_space<vmem>>, vector<16xf32>,
        tpu.vector_store %arg7[%parallel_loop3A_502], %parallel_loop3A_499 {strides = array<i32>} : memref<40960xf32, #tpu.memory_space<vmem>>, vector<16xf32>,
        %parallel_loop3A_504 = arith.constant 176 : i32
        %parallel_loop3A_505 = arith.addi %parallel_loop3A_413, %parallel_loop3A_504 : i32
        %parallel_loop3A_506 = arith.index_cast %parallel_loop3A_505 : i32 to index
        %parallel_loop3A_507 = tpu.vector_load %arg6[%parallel_loop3A_506] {strides = array<i32>} : memref<24320xf32, #tpu.memory_space<vmem>>, vector<16xf32>,
        %parallel_loop3A_508 = arith.constant 176 : i32
        %parallel_loop3A_509 = arith.addi %parallel_loop3A_415, %parallel_loop3A_508 : i32
        %parallel_loop3A_510 = arith.index_cast %parallel_loop3A_509 : i32 to index
        %parallel_loop3A_511 = tpu.vector_load %arg7[%parallel_loop3A_510] {strides = array<i32>} : memref<40960xf32, #tpu.memory_space<vmem>>, vector<16xf32>,
        tpu.vector_store %arg7[%parallel_loop3A_510], %parallel_loop3A_507 {strides = array<i32>} : memref<40960xf32, #tpu.memory_space<vmem>>, vector<16xf32>,
        %parallel_loop3A_512 = arith.constant 192 : i32
        %parallel_loop3A_513 = arith.addi %parallel_loop3A_413, %parallel_loop3A_512 : i32
        %parallel_loop3A_514 = arith.index_cast %parallel_loop3A_513 : i32 to index
        %parallel_loop3A_515 = tpu.vector_load %arg6[%parallel_loop3A_514] {strides = array<i32>} : memref<24320xf32, #tpu.memory_space<vmem>>, vector<16xf32>,
        %parallel_loop3A_516 = arith.constant 192 : i32
        %parallel_loop3A_517 = arith.addi %parallel_loop3A_415, %parallel_loop3A_516 : i32
        %parallel_loop3A_518 = arith.index_cast %parallel_loop3A_517 : i32 to index
        %parallel_loop3A_519 = tpu.vector_load %arg7[%parallel_loop3A_518] {strides = array<i32>} : memref<40960xf32, #tpu.memory_space<vmem>>, vector<16xf32>,
        tpu.vector_store %arg7[%parallel_loop3A_518], %parallel_loop3A_515 {strides = array<i32>} : memref<40960xf32, #tpu.memory_space<vmem>>, vector<16xf32>,
        %parallel_loop3A_520 = arith.constant 208 : i32
        %parallel_loop3A_521 = arith.addi %parallel_loop3A_413, %parallel_loop3A_520 : i32
        %parallel_loop3A_522 = arith.index_cast %parallel_loop3A_521 : i32 to index
        %parallel_loop3A_523 = tpu.vector_load %arg6[%parallel_loop3A_522] {strides = array<i32>} : memref<24320xf32, #tpu.memory_space<vmem>>, vector<16xf32>,
        %parallel_loop3A_524 = arith.constant 208 : i32
        %parallel_loop3A_525 = arith.addi %parallel_loop3A_415, %parallel_loop3A_524 : i32
        %parallel_loop3A_526 = arith.index_cast %parallel_loop3A_525 : i32 to index
        %parallel_loop3A_527 = tpu.vector_load %arg7[%parallel_loop3A_526] {strides = array<i32>} : memref<40960xf32, #tpu.memory_space<vmem>>, vector<16xf32>,
        tpu.vector_store %arg7[%parallel_loop3A_526], %parallel_loop3A_523 {strides = array<i32>} : memref<40960xf32, #tpu.memory_space<vmem>>, vector<16xf32>,
        %parallel_loop3A_528 = arith.constant 224 : i32
        %parallel_loop3A_529 = arith.addi %parallel_loop3A_413, %parallel_loop3A_528 : i32
        %parallel_loop3A_530 = arith.index_cast %parallel_loop3A_529 : i32 to index
        %parallel_loop3A_531 = tpu.vector_load %arg6[%parallel_loop3A_530] {strides = array<i32>} : memref<24320xf32, #tpu.memory_space<vmem>>, vector<16xf32>,
        %parallel_loop3A_532 = arith.constant 224 : i32
        %parallel_loop3A_533 = arith.addi %parallel_loop3A_415, %parallel_loop3A_532 : i32
        %parallel_loop3A_534 = arith.index_cast %parallel_loop3A_533 : i32 to index
        %parallel_loop3A_535 = tpu.vector_load %arg7[%parallel_loop3A_534] {strides = array<i32>} : memref<40960xf32, #tpu.memory_space<vmem>>, vector<16xf32>,
        tpu.vector_store %arg7[%parallel_loop3A_534], %parallel_loop3A_531 {strides = array<i32>} : memref<40960xf32, #tpu.memory_space<vmem>>, vector<16xf32>,
        %parallel_loop3A_536 = arith.constant 240 : i32
        %parallel_loop3A_537 = arith.addi %parallel_loop3A_413, %parallel_loop3A_536 : i32
        %parallel_loop3A_538 = arith.index_cast %parallel_loop3A_537 : i32 to index
        %parallel_loop3A_539 = tpu.vector_load %arg6[%parallel_loop3A_538] {strides = array<i32>} : memref<24320xf32, #tpu.memory_space<vmem>>, vector<16xf32>,
        %parallel_loop3A_540 = arith.constant 240 : i32
        %parallel_loop3A_541 = arith.addi %parallel_loop3A_415, %parallel_loop3A_540 : i32
        %parallel_loop3A_542 = arith.index_cast %parallel_loop3A_541 : i32 to index
        %parallel_loop3A_543 = tpu.vector_load %arg7[%parallel_loop3A_542] {strides = array<i32>} : memref<40960xf32, #tpu.memory_space<vmem>>, vector<16xf32>,
        tpu.vector_store %arg7[%parallel_loop3A_542], %parallel_loop3A_539 {strides = array<i32>} : memref<40960xf32, #tpu.memory_space<vmem>>, vector<16xf32>,
      } {sc.loop_unroll_factor = 4 : i64, sc.parallel_access}
      %mul3A_375 = arith.constant 32 : i32
      %mul3A_376 = arith.muli %add3A_361, %mul3A_375 : i32
      %add3A_377 = arith.addi %add3A, %mul3A_376 : i32
      %mul3A_378 = arith.constant 160 : i32
      %mul3A_379 = arith.muli %add3A_377, %mul3A_378 : i32
      %mul3A_380 = arith.constant 256 : i32
      %mul3A_381 = arith.muli %mul3A_379, %mul3A_380 : i32
      %multiple_of3A_382 = tpu.assume_multiple %mul3A_381, 40960 : i32
      %dma_start3A_383 = tpu.memref_slice %arg4[%multiple_of3A_382] : memref<25600000xf32, #tpu.memory_space<hbm>> -> memref<40960xf32, #tpu.memory_space<hbm>>
      %dma_start3A_384 = tpu.memref_slice %arg4[%multiple_of3A_382] : memref<25600000xf32, #tpu.memory_space<hbm>> -> memref<40960xf32, #tpu.memory_space<hbm>>
      tpu.enqueue_dma source(%arg7 : memref<40960xf32, #tpu.memory_space<vmem>>) target(%dma_start3A_384 : memref<40960xf32, #tpu.memory_space<hbm>>) target_semaphore(%arg10 : memref<!tpu.dma_semaphore, #tpu.memory_space<semaphore_mem>>)
      %mul3A_385 = arith.constant 2 : i32
      %mul3A_386 = arith.muli %mul3A_385, %scan3A_355 : i32
      %add3A_387 = arith.constant 1 : i32
      %add3A_388 = arith.addi %mul3A_386, %add3A_387 : i32
      %gt3A_389 = arith.constant 0 : i32
      %gt3A_390 = arith.cmpi sgt, %scan3A_355, %gt3A_389 : i32
      %add3A_391 = arith.constant 0 : i32
      %add3A_392 = arith.addi %add3A, %add3A_391 : i32
      %mul3A_393 = arith.constant 160 : i32
      %mul3A_394 = arith.muli %add3A_392, %mul3A_393 : i32
      %mul3A_395 = arith.constant 256 : i32
      %mul3A_396 = arith.muli %mul3A_394, %mul3A_395 : i32
      %multiple_of3A_397 = tpu.assume_multiple %mul3A_396, 40960 : i32
      %convert_element_type3A_398 = arith.extui %gt3A_390 : i1 to i32
      %cond3A_399 = arith.constant 0 : i32
      %cond3A_400 = arith.cmpi ne, %convert_element_type3A_398, %cond3A_399 : i32
      scf.if %cond3A_400 {
        %dma_wait3A_404 = tpu.memref_slice %arg4[%multiple_of3A_397] : memref<25600000xf32, #tpu.memory_space<hbm>> -> memref<40960xf32, #tpu.memory_space<hbm>>
        %dma_wait3A_405 = tpu.memref_slice %arg4[%multiple_of3A_397] : memref<25600000xf32, #tpu.memory_space<hbm>> -> memref<40960xf32, #tpu.memory_space<hbm>>
        tpu.wait_dma2 semaphore(%arg11 : memref<!tpu.dma_semaphore, #tpu.memory_space<semaphore_mem>>) src(%arg8 : memref<40960xf32, #tpu.memory_space<vmem>>) dst(%dma_wait3A_405 : memref<40960xf32, #tpu.memory_space<hbm>>)
      } else {
      }
      %convert_element_type3A_401 = arith.extui %or3A : i1 to i32
      %cond3A_402 = arith.constant 0 : i32
      %cond3A_403 = arith.cmpi ne, %convert_element_type3A_401, %cond3A_402 : i32
      scf.if %cond3A_403 {
        %parallel_loop3A_404 = arith.constant 0 : i32
        %parallel_loop3A_405 = arith.constant 160 : i32
        %parallel_loop3A_406 = arith.constant 1 : i32
        scf.for %parallel_loop3A_417 = %parallel_loop3A_404 to %parallel_loop3A_405 step %parallel_loop3A_406  : i32 {
          %parallel_loop3A_418 = arith.constant 160 : i32
          %parallel_loop3A_419 = arith.muli %add3A_388, %parallel_loop3A_418 : i32
          %parallel_loop3A_420 = arith.addi %parallel_loop3A_419, %parallel_loop3A_417 : i32
          %parallel_loop3A_421 = arith.index_cast %parallel_loop3A_420 : i32 to index
          %parallel_loop3A_422 = tpu.vector_load %arg5[%parallel_loop3A_421] {strides = array<i32>} : memref<3216xi32, #tpu.memory_space<vmem>>, vector<16xi32>,
          %parallel_loop3A_423 = vector.extract_strided_slice %parallel_loop3A_422 {offsets = [0], sizes = [1], strides = [1]} : vector<16xi32> to vector<1xi32>
          %parallel_loop3A_424 = vector.extract %parallel_loop3A_423[0] : i32 from vector<1xi32>
          %parallel_loop3A_425 = arith.constant 256 : i32
          %parallel_loop3A_426 = arith.muli %parallel_loop3A_424, %parallel_loop3A_425 : i32
          %parallel_loop3A_427 = arith.constant 256 : i32
          %parallel_loop3A_428 = arith.muli %parallel_loop3A_417, %parallel_loop3A_427 : i32
          %parallel_loop3A_429 = arith.constant 0 : i32
          %parallel_loop3A_430 = arith.addi %parallel_loop3A_426, %parallel_loop3A_429 : i32
          %parallel_loop3A_431 = arith.index_cast %parallel_loop3A_430 : i32 to index
          %parallel_loop3A_432 = tpu.vector_load %arg6[%parallel_loop3A_431] {strides = array<i32>} : memref<24320xf32, #tpu.memory_space<vmem>>, vector<16xf32>,
          %parallel_loop3A_433 = arith.constant 0 : i32
          %parallel_loop3A_434 = arith.addi %parallel_loop3A_428, %parallel_loop3A_433 : i32
          %parallel_loop3A_435 = arith.index_cast %parallel_loop3A_434 : i32 to index
          %parallel_loop3A_436 = tpu.vector_load %arg8[%parallel_loop3A_435] {strides = array<i32>} : memref<40960xf32, #tpu.memory_space<vmem>>, vector<16xf32>,
          tpu.vector_store %arg8[%parallel_loop3A_435], %parallel_loop3A_432 {strides = array<i32>} : memref<40960xf32, #tpu.memory_space<vmem>>, vector<16xf32>,
          %parallel_loop3A_437 = arith.constant 16 : i32
          %parallel_loop3A_438 = arith.addi %parallel_loop3A_426, %parallel_loop3A_437 : i32
          %parallel_loop3A_439 = arith.index_cast %parallel_loop3A_438 : i32 to index
          %parallel_loop3A_440 = tpu.vector_load %arg6[%parallel_loop3A_439] {strides = array<i32>} : memref<24320xf32, #tpu.memory_space<vmem>>, vector<16xf32>,
          %parallel_loop3A_441 = arith.constant 16 : i32
          %parallel_loop3A_442 = arith.addi %parallel_loop3A_428, %parallel_loop3A_441 : i32
          %parallel_loop3A_443 = arith.index_cast %parallel_loop3A_442 : i32 to index
          %parallel_loop3A_444 = tpu.vector_load %arg8[%parallel_loop3A_443] {strides = array<i32>} : memref<40960xf32, #tpu.memory_space<vmem>>, vector<16xf32>,
          tpu.vector_store %arg8[%parallel_loop3A_443], %parallel_loop3A_440 {strides = array<i32>} : memref<40960xf32, #tpu.memory_space<vmem>>, vector<16xf32>,
          %parallel_loop3A_445 = arith.constant 32 : i32
          %parallel_loop3A_446 = arith.addi %parallel_loop3A_426, %parallel_loop3A_445 : i32
          %parallel_loop3A_447 = arith.index_cast %parallel_loop3A_446 : i32 to index
          %parallel_loop3A_448 = tpu.vector_load %arg6[%parallel_loop3A_447] {strides = array<i32>} : memref<24320xf32, #tpu.memory_space<vmem>>, vector<16xf32>,
          %parallel_loop3A_449 = arith.constant 32 : i32
          %parallel_loop3A_450 = arith.addi %parallel_loop3A_428, %parallel_loop3A_449 : i32
          %parallel_loop3A_451 = arith.index_cast %parallel_loop3A_450 : i32 to index
          %parallel_loop3A_452 = tpu.vector_load %arg8[%parallel_loop3A_451] {strides = array<i32>} : memref<40960xf32, #tpu.memory_space<vmem>>, vector<16xf32>,
          tpu.vector_store %arg8[%parallel_loop3A_451], %parallel_loop3A_448 {strides = array<i32>} : memref<40960xf32, #tpu.memory_space<vmem>>, vector<16xf32>,
          %parallel_loop3A_453 = arith.constant 48 : i32
          %parallel_loop3A_454 = arith.addi %parallel_loop3A_426, %parallel_loop3A_453 : i32
          %parallel_loop3A_455 = arith.index_cast %parallel_loop3A_454 : i32 to index
          %parallel_loop3A_456 = tpu.vector_load %arg6[%parallel_loop3A_455] {strides = array<i32>} : memref<24320xf32, #tpu.memory_space<vmem>>, vector<16xf32>,
          %parallel_loop3A_457 = arith.constant 48 : i32
          %parallel_loop3A_458 = arith.addi %parallel_loop3A_428, %parallel_loop3A_457 : i32
          %parallel_loop3A_459 = arith.index_cast %parallel_loop3A_458 : i32 to index
          %parallel_loop3A_460 = tpu.vector_load %arg8[%parallel_loop3A_459] {strides = array<i32>} : memref<40960xf32, #tpu.memory_space<vmem>>, vector<16xf32>,
          tpu.vector_store %arg8[%parallel_loop3A_459], %parallel_loop3A_456 {strides = array<i32>} : memref<40960xf32, #tpu.memory_space<vmem>>, vector<16xf32>,
          %parallel_loop3A_461 = arith.constant 64 : i32
          %parallel_loop3A_462 = arith.addi %parallel_loop3A_426, %parallel_loop3A_461 : i32
          %parallel_loop3A_463 = arith.index_cast %parallel_loop3A_462 : i32 to index
          %parallel_loop3A_464 = tpu.vector_load %arg6[%parallel_loop3A_463] {strides = array<i32>} : memref<24320xf32, #tpu.memory_space<vmem>>, vector<16xf32>,
          %parallel_loop3A_465 = arith.constant 64 : i32
          %parallel_loop3A_466 = arith.addi %parallel_loop3A_428, %parallel_loop3A_465 : i32
          %parallel_loop3A_467 = arith.index_cast %parallel_loop3A_466 : i32 to index
          %parallel_loop3A_468 = tpu.vector_load %arg8[%parallel_loop3A_467] {strides = array<i32>} : memref<40960xf32, #tpu.memory_space<vmem>>, vector<16xf32>,
          tpu.vector_store %arg8[%parallel_loop3A_467], %parallel_loop3A_464 {strides = array<i32>} : memref<40960xf32, #tpu.memory_space<vmem>>, vector<16xf32>,
          %parallel_loop3A_469 = arith.constant 80 : i32
          %parallel_loop3A_470 = arith.addi %parallel_loop3A_426, %parallel_loop3A_469 : i32
          %parallel_loop3A_471 = arith.index_cast %parallel_loop3A_470 : i32 to index
          %parallel_loop3A_472 = tpu.vector_load %arg6[%parallel_loop3A_471] {strides = array<i32>} : memref<24320xf32, #tpu.memory_space<vmem>>, vector<16xf32>,
          %parallel_loop3A_473 = arith.constant 80 : i32
          %parallel_loop3A_474 = arith.addi %parallel_loop3A_428, %parallel_loop3A_473 : i32
          %parallel_loop3A_475 = arith.index_cast %parallel_loop3A_474 : i32 to index
          %parallel_loop3A_476 = tpu.vector_load %arg8[%parallel_loop3A_475] {strides = array<i32>} : memref<40960xf32, #tpu.memory_space<vmem>>, vector<16xf32>,
          tpu.vector_store %arg8[%parallel_loop3A_475], %parallel_loop3A_472 {strides = array<i32>} : memref<40960xf32, #tpu.memory_space<vmem>>, vector<16xf32>,
          %parallel_loop3A_477 = arith.constant 96 : i32
          %parallel_loop3A_478 = arith.addi %parallel_loop3A_426, %parallel_loop3A_477 : i32
          %parallel_loop3A_479 = arith.index_cast %parallel_loop3A_478 : i32 to index
          %parallel_loop3A_480 = tpu.vector_load %arg6[%parallel_loop3A_479] {strides = array<i32>} : memref<24320xf32, #tpu.memory_space<vmem>>, vector<16xf32>,
          %parallel_loop3A_481 = arith.constant 96 : i32
          %parallel_loop3A_482 = arith.addi %parallel_loop3A_428, %parallel_loop3A_481 : i32
          %parallel_loop3A_483 = arith.index_cast %parallel_loop3A_482 : i32 to index
          %parallel_loop3A_484 = tpu.vector_load %arg8[%parallel_loop3A_483] {strides = array<i32>} : memref<40960xf32, #tpu.memory_space<vmem>>, vector<16xf32>,
          tpu.vector_store %arg8[%parallel_loop3A_483], %parallel_loop3A_480 {strides = array<i32>} : memref<40960xf32, #tpu.memory_space<vmem>>, vector<16xf32>,
          %parallel_loop3A_485 = arith.constant 112 : i32
          %parallel_loop3A_486 = arith.addi %parallel_loop3A_426, %parallel_loop3A_485 : i32
          %parallel_loop3A_487 = arith.index_cast %parallel_loop3A_486 : i32 to index
          %parallel_loop3A_488 = tpu.vector_load %arg6[%parallel_loop3A_487] {strides = array<i32>} : memref<24320xf32, #tpu.memory_space<vmem>>, vector<16xf32>,
          %parallel_loop3A_489 = arith.constant 112 : i32
          %parallel_loop3A_490 = arith.addi %parallel_loop3A_428, %parallel_loop3A_489 : i32
          %parallel_loop3A_491 = arith.index_cast %parallel_loop3A_490 : i32 to index
          %parallel_loop3A_492 = tpu.vector_load %arg8[%parallel_loop3A_491] {strides = array<i32>} : memref<40960xf32, #tpu.memory_space<vmem>>, vector<16xf32>,
          tpu.vector_store %arg8[%parallel_loop3A_491], %parallel_loop3A_488 {strides = array<i32>} : memref<40960xf32, #tpu.memory_space<vmem>>, vector<16xf32>,
          %parallel_loop3A_493 = arith.constant 128 : i32
          %parallel_loop3A_494 = arith.addi %parallel_loop3A_426, %parallel_loop3A_493 : i32
          %parallel_loop3A_495 = arith.index_cast %parallel_loop3A_494 : i32 to index
          %parallel_loop3A_496 = tpu.vector_load %arg6[%parallel_loop3A_495] {strides = array<i32>} : memref<24320xf32, #tpu.memory_space<vmem>>, vector<16xf32>,
          %parallel_loop3A_497 = arith.constant 128 : i32
          %parallel_loop3A_498 = arith.addi %parallel_loop3A_428, %parallel_loop3A_497 : i32
          %parallel_loop3A_499 = arith.index_cast %parallel_loop3A_498 : i32 to index
          %parallel_loop3A_500 = tpu.vector_load %arg8[%parallel_loop3A_499] {strides = array<i32>} : memref<40960xf32, #tpu.memory_space<vmem>>, vector<16xf32>,
          tpu.vector_store %arg8[%parallel_loop3A_499], %parallel_loop3A_496 {strides = array<i32>} : memref<40960xf32, #tpu.memory_space<vmem>>, vector<16xf32>,
          %parallel_loop3A_501 = arith.constant 144 : i32
          %parallel_loop3A_502 = arith.addi %parallel_loop3A_426, %parallel_loop3A_501 : i32
          %parallel_loop3A_503 = arith.index_cast %parallel_loop3A_502 : i32 to index
          %parallel_loop3A_504 = tpu.vector_load %arg6[%parallel_loop3A_503] {strides = array<i32>} : memref<24320xf32, #tpu.memory_space<vmem>>, vector<16xf32>,
          %parallel_loop3A_505 = arith.constant 144 : i32
          %parallel_loop3A_506 = arith.addi %parallel_loop3A_428, %parallel_loop3A_505 : i32
          %parallel_loop3A_507 = arith.index_cast %parallel_loop3A_506 : i32 to index
          %parallel_loop3A_508 = tpu.vector_load %arg8[%parallel_loop3A_507] {strides = array<i32>} : memref<40960xf32, #tpu.memory_space<vmem>>, vector<16xf32>,
          tpu.vector_store %arg8[%parallel_loop3A_507], %parallel_loop3A_504 {strides = array<i32>} : memref<40960xf32, #tpu.memory_space<vmem>>, vector<16xf32>,
          %parallel_loop3A_509 = arith.constant 160 : i32
          %parallel_loop3A_510 = arith.addi %parallel_loop3A_426, %parallel_loop3A_509 : i32
          %parallel_loop3A_511 = arith.index_cast %parallel_loop3A_510 : i32 to index
          %parallel_loop3A_512 = tpu.vector_load %arg6[%parallel_loop3A_511] {strides = array<i32>} : memref<24320xf32, #tpu.memory_space<vmem>>, vector<16xf32>,
          %parallel_loop3A_513 = arith.constant 160 : i32
          %parallel_loop3A_514 = arith.addi %parallel_loop3A_428, %parallel_loop3A_513 : i32
          %parallel_loop3A_515 = arith.index_cast %parallel_loop3A_514 : i32 to index
          %parallel_loop3A_516 = tpu.vector_load %arg8[%parallel_loop3A_515] {strides = array<i32>} : memref<40960xf32, #tpu.memory_space<vmem>>, vector<16xf32>,
          tpu.vector_store %arg8[%parallel_loop3A_515], %parallel_loop3A_512 {strides = array<i32>} : memref<40960xf32, #tpu.memory_space<vmem>>, vector<16xf32>,
          %parallel_loop3A_517 = arith.constant 176 : i32
          %parallel_loop3A_518 = arith.addi %parallel_loop3A_426, %parallel_loop3A_517 : i32
          %parallel_loop3A_519 = arith.index_cast %parallel_loop3A_518 : i32 to index
          %parallel_loop3A_520 = tpu.vector_load %arg6[%parallel_loop3A_519] {strides = array<i32>} : memref<24320xf32, #tpu.memory_space<vmem>>, vector<16xf32>,
          %parallel_loop3A_521 = arith.constant 176 : i32
          %parallel_loop3A_522 = arith.addi %parallel_loop3A_428, %parallel_loop3A_521 : i32
          %parallel_loop3A_523 = arith.index_cast %parallel_loop3A_522 : i32 to index
          %parallel_loop3A_524 = tpu.vector_load %arg8[%parallel_loop3A_523] {strides = array<i32>} : memref<40960xf32, #tpu.memory_space<vmem>>, vector<16xf32>,
          tpu.vector_store %arg8[%parallel_loop3A_523], %parallel_loop3A_520 {strides = array<i32>} : memref<40960xf32, #tpu.memory_space<vmem>>, vector<16xf32>,
          %parallel_loop3A_525 = arith.constant 192 : i32
          %parallel_loop3A_526 = arith.addi %parallel_loop3A_426, %parallel_loop3A_525 : i32
          %parallel_loop3A_527 = arith.index_cast %parallel_loop3A_526 : i32 to index
          %parallel_loop3A_528 = tpu.vector_load %arg6[%parallel_loop3A_527] {strides = array<i32>} : memref<24320xf32, #tpu.memory_space<vmem>>, vector<16xf32>,
          %parallel_loop3A_529 = arith.constant 192 : i32
          %parallel_loop3A_530 = arith.addi %parallel_loop3A_428, %parallel_loop3A_529 : i32
          %parallel_loop3A_531 = arith.index_cast %parallel_loop3A_530 : i32 to index
          %parallel_loop3A_532 = tpu.vector_load %arg8[%parallel_loop3A_531] {strides = array<i32>} : memref<40960xf32, #tpu.memory_space<vmem>>, vector<16xf32>,
          tpu.vector_store %arg8[%parallel_loop3A_531], %parallel_loop3A_528 {strides = array<i32>} : memref<40960xf32, #tpu.memory_space<vmem>>, vector<16xf32>,
          %parallel_loop3A_533 = arith.constant 208 : i32
          %parallel_loop3A_534 = arith.addi %parallel_loop3A_426, %parallel_loop3A_533 : i32
          %parallel_loop3A_535 = arith.index_cast %parallel_loop3A_534 : i32 to index
          %parallel_loop3A_536 = tpu.vector_load %arg6[%parallel_loop3A_535] {strides = array<i32>} : memref<24320xf32, #tpu.memory_space<vmem>>, vector<16xf32>,
          %parallel_loop3A_537 = arith.constant 208 : i32
          %parallel_loop3A_538 = arith.addi %parallel_loop3A_428, %parallel_loop3A_537 : i32
          %parallel_loop3A_539 = arith.index_cast %parallel_loop3A_538 : i32 to index
          %parallel_loop3A_540 = tpu.vector_load %arg8[%parallel_loop3A_539] {strides = array<i32>} : memref<40960xf32, #tpu.memory_space<vmem>>, vector<16xf32>,
          tpu.vector_store %arg8[%parallel_loop3A_539], %parallel_loop3A_536 {strides = array<i32>} : memref<40960xf32, #tpu.memory_space<vmem>>, vector<16xf32>,
          %parallel_loop3A_541 = arith.constant 224 : i32
          %parallel_loop3A_542 = arith.addi %parallel_loop3A_426, %parallel_loop3A_541 : i32
          %parallel_loop3A_543 = arith.index_cast %parallel_loop3A_542 : i32 to index
          %parallel_loop3A_544 = tpu.vector_load %arg6[%parallel_loop3A_543] {strides = array<i32>} : memref<24320xf32, #tpu.memory_space<vmem>>, vector<16xf32>,
          %parallel_loop3A_545 = arith.constant 224 : i32
          %parallel_loop3A_546 = arith.addi %parallel_loop3A_428, %parallel_loop3A_545 : i32
          %parallel_loop3A_547 = arith.index_cast %parallel_loop3A_546 : i32 to index
          %parallel_loop3A_548 = tpu.vector_load %arg8[%parallel_loop3A_547] {strides = array<i32>} : memref<40960xf32, #tpu.memory_space<vmem>>, vector<16xf32>,
          tpu.vector_store %arg8[%parallel_loop3A_547], %parallel_loop3A_544 {strides = array<i32>} : memref<40960xf32, #tpu.memory_space<vmem>>, vector<16xf32>,
          %parallel_loop3A_549 = arith.constant 240 : i32
          %parallel_loop3A_550 = arith.addi %parallel_loop3A_426, %parallel_loop3A_549 : i32
          %parallel_loop3A_551 = arith.index_cast %parallel_loop3A_550 : i32 to index
          %parallel_loop3A_552 = tpu.vector_load %arg6[%parallel_loop3A_551] {strides = array<i32>} : memref<24320xf32, #tpu.memory_space<vmem>>, vector<16xf32>,
          %parallel_loop3A_553 = arith.constant 240 : i32
          %parallel_loop3A_554 = arith.addi %parallel_loop3A_428, %parallel_loop3A_553 : i32
          %parallel_loop3A_555 = arith.index_cast %parallel_loop3A_554 : i32 to index
          %parallel_loop3A_556 = tpu.vector_load %arg8[%parallel_loop3A_555] {strides = array<i32>} : memref<40960xf32, #tpu.memory_space<vmem>>, vector<16xf32>,
          tpu.vector_store %arg8[%parallel_loop3A_555], %parallel_loop3A_552 {strides = array<i32>} : memref<40960xf32, #tpu.memory_space<vmem>>, vector<16xf32>,
        } {sc.loop_unroll_factor = 4 : i64, sc.parallel_access}
        %mul3A_407 = arith.constant 32 : i32
        %mul3A_408 = arith.muli %add3A_388, %mul3A_407 : i32
        %add3A_409 = arith.addi %add3A, %mul3A_408 : i32
        %mul3A_410 = arith.constant 160 : i32
        %mul3A_411 = arith.muli %add3A_409, %mul3A_410 : i32
        %mul3A_412 = arith.constant 256 : i32
        %mul3A_413 = arith.muli %mul3A_411, %mul3A_412 : i32
        %multiple_of3A_414 = tpu.assume_multiple %mul3A_413, 40960 : i32
        %dma_start3A_415 = tpu.memref_slice %arg4[%multiple_of3A_414] : memref<25600000xf32, #tpu.memory_space<hbm>> -> memref<40960xf32, #tpu.memory_space<hbm>>
        %dma_start3A_416 = tpu.memref_slice %arg4[%multiple_of3A_414] : memref<25600000xf32, #tpu.memory_space<hbm>> -> memref<40960xf32, #tpu.memory_space<hbm>>
        tpu.enqueue_dma source(%arg8 : memref<40960xf32, #tpu.memory_space<vmem>>) target(%dma_start3A_416 : memref<40960xf32, #tpu.memory_space<hbm>>) target_semaphore(%arg11 : memref<!tpu.dma_semaphore, #tpu.memory_space<semaphore_mem>>)
      } else {
      }
    }
    %scan3A_335 = arith.constant 10 : i32
    %add3A_336 = arith.constant 0 : i32
    %add3A_337 = arith.addi %add3A, %add3A_336 : i32
    %mul3A_338 = arith.constant 160 : i32
    %mul3A_339 = arith.muli %add3A_337, %mul3A_338 : i32
    %mul3A_340 = arith.constant 256 : i32
    %mul3A_341 = arith.muli %mul3A_339, %mul3A_340 : i32
    %multiple_of3A_342 = tpu.assume_multiple %mul3A_341, 40960 : i32
    %dma_wait3A_343 = tpu.memref_slice %arg4[%multiple_of3A_342] : memref<25600000xf32, #tpu.memory_space<hbm>> -> memref<40960xf32, #tpu.memory_space<hbm>>
    %dma_wait3A_344 = tpu.memref_slice %arg4[%multiple_of3A_342] : memref<25600000xf32, #tpu.memory_space<hbm>> -> memref<40960xf32, #tpu.memory_space<hbm>>
    tpu.wait_dma2 semaphore(%arg10 : memref<!tpu.dma_semaphore, #tpu.memory_space<semaphore_mem>>) src(%arg7 : memref<40960xf32, #tpu.memory_space<vmem>>) dst(%dma_wait3A_344 : memref<40960xf32, #tpu.memory_space<hbm>>)
    %add3A_345 = arith.constant 0 : i32
    %add3A_346 = arith.addi %add3A, %add3A_345 : i32
    %mul3A_347 = arith.constant 160 : i32
    %mul3A_348 = arith.muli %add3A_346, %mul3A_347 : i32
    %mul3A_349 = arith.constant 256 : i32
    %mul3A_350 = arith.muli %mul3A_348, %mul3A_349 : i32
    %multiple_of3A_351 = tpu.assume_multiple %mul3A_350, 40960 : i32
    %convert_element_type3A_352 = arith.extui %lt3A_1 : i1 to i32
    %cond3A_353 = arith.constant 0 : i32
    %cond3A_354 = arith.cmpi ne, %convert_element_type3A_352, %cond3A_353 : i32
    scf.if %cond3A_354 {
      %dma_wait3A_355 = tpu.memref_slice %arg4[%multiple_of3A_351] : memref<25600000xf32, #tpu.memory_space<hbm>> -> memref<40960xf32, #tpu.memory_space<hbm>>
      %dma_wait3A_356 = tpu.memref_slice %arg4[%multiple_of3A_351] : memref<25600000xf32, #tpu.memory_space<hbm>> -> memref<40960xf32, #tpu.memory_space<hbm>>
      tpu.wait_dma2 semaphore(%arg11 : memref<!tpu.dma_semaphore, #tpu.memory_space<semaphore_mem>>) src(%arg8 : memref<40960xf32, #tpu.memory_space<vmem>>) dst(%dma_wait3A_356 : memref<40960xf32, #tpu.memory_space<hbm>>)
    } else {
    }
    return
  }
}

module attributes {stable_mosaic.version = 14 : i64} {
  func.func @body(%arg0: memref<95x256xf32, #tpu.memory_space<vmem>>, %arg1: memref<95x256xf32, #tpu.memory_space<vmem>>) attributes {dimension_semantics = [], scalar_prefetch = 0 : i64, scratch_operands = 0 : i64, tpu.core_type = #tpu.core_type<tc>} {
    %get3A = arith.constant 0 : index
    %get3A_0 = arith.constant 0 : index
    %get3A_1 = vector.load %arg0[%get3A, %get3A_0] : memref<95x256xf32, #tpu.memory_space<vmem>>, vector<95x256xf32>
    %neg3A = arith.constant 0.000000e+00 : f32
    %neg3A_2 = vector.broadcast %neg3A : f32 to vector<95x256xf32>
    %neg3A_3 = arith.subf %neg3A_2, %get3A_1 : vector<95x256xf32>
    %exp3A = math.exp %neg3A_3 : vector<95x256xf32>
    %add3A = arith.constant 1.000000e+00 : f32
    %add3A_4 = vector.broadcast %add3A : f32 to vector<95x256xf32>
    %add3A_5 = arith.addf %add3A_4, %exp3A : vector<95x256xf32>
    %div3A = arith.constant 1.000000e+00 : f32
    %div3A_6 = vector.broadcast %div3A : f32 to vector<95x256xf32>
    %div3A_7 = arith.divf %div3A_6, %add3A_5 : vector<95x256xf32>
    %mul3A = arith.mulf %get3A_1, %div3A_7 : vector<95x256xf32>
    %swap3A = arith.constant 0 : index
    %swap3A_8 = arith.constant 0 : index
    %swap3A_9 = vector.load %arg1[%swap3A, %swap3A_8] : memref<95x256xf32, #tpu.memory_space<vmem>>, vector<95x256xf32>
    tpu.vector_store %arg1[%swap3A, %swap3A_8], %mul3A {strides = array<i32>} : memref<95x256xf32, #tpu.memory_space<vmem>>, vector<95x256xf32>,
    return
  }
}

</mosaic_0001>

<sc_bundles>
// kernel: kernel.4.cloned.1.call-start
scs
__scs_entry_jumppad:
0x0: {  	(pc) =	sbr.rel $0x88, $3  }
0x1: {  	(tag) =	ssettag $0x0;
	lr =	simm.s32 $0x1  }
0x2: {  	[smem:$0x3F9F] =	sst lr;
	_ =	strace $0xD0000000  }
0x3: {  	_ = 	snop  }
0x4: {  	_ = 	snop  }
0x5: {  	_ = 	snop  }
0x6: {  	_ = 	snop  }
0x7: {  	_ = 	snop  }
__scs_overlays_trampoline_lowered:
0x8: {  	[smem:$0x3FAE] =	sst s0  }
0x9: {  	[smem:$0x3FAF] =	sst s1  }
0xa: {  	[smem:$0x3FB0] =	sst s2  }
0xb: {  	[smem:$0x3FB1] =	sst s3  }
0xc: {  	[smem:$0x3FB2] =	sst s4  }
0xd: {  	[smem:$0x3FB3] =	sst s5  }
0xe: {  	[smem:$0x3FB4] =	sst s6  }
0xf: {  	[smem:$0x3FB5] =	sst s7  }
0x10: {  	[smem:$0x3FB6] =	sst s8  }
0x11: {  	[smem:$0x3FB7] =	sst s9;
	s0 =	simm.s32 @!p0 $0x0  }
0x12: {  	s1 =	sld [smem:$0x3F9D];
	s0 =	simm.s32 @p0 $0x1  }
0x13: {  	[smem:$0x3FB8] =	sst s0;
	s0 =	simm.s32 @!p1 $0x0  }
0x14: {  	s2 =	sld [smem:$0x3F9C];
	s0 =	simm.s32 @p1 $0x1  }
0x15: {  	[smem:$0x3FB9] =	sst s0;
	s0 =	simm.s32 @!p2 $0x0  }
0x16: {  	s3 =	sld [smem:$0x3FDB];
	s0 =	simm.s32 @p2 $0x1  }
0x17: {  	s4 =	simm.s32 $0x1BF5;
	[smem:$0x3FBB] =	sst s0  }
0x18: {  	s0 =	sld [smem:$0x3F9E];
	_ =	swait.ge [sflag:s4], $0x0  }
0x19: {  	s7 =	sld [smem:$0x3F9F]  }
0x1a: {  	s8 =	sadd.s32 $0xFFFFE003, lr  }
0x1b: {  	s9 =	sadd.s32 $0xFFFFFEF7, lr;
	s5 =	simm.s32 $0xFFFFFFFF;
	p2 =	slt.u32 s8, $0xFFFFF086  }
0x1c: {  	p1 =	slt.u32 s9, $0xF7A;
	s5 =	simm.s32 @!p2 $0x0  }
0x1d: {  	s5 =	simm.s32 @p1 $0x1;
	p0 =	seq.s32 s7, s2  }
0x1e: {  	s7 =	smul.u32 @!p0 $0xF7A, s2;
	p2 =	seq.s32 @!p0 s5, $0x0  }
0x1f: {  	s9 =	smul.u32 $0xF7A, s1;
	s8 =	simm.s32 @!p0 $0x1BF5;
	p2 =	por !p2, p0  }
0x20: {  	[sflag:s8] =	ssyncset.s32 @!p0 $0xFFFFF086;
	s6 =	sadd.s32 @!p0 s3, s7;
	s7 =	simm.s32 @!p0 $0x108  }
0x21: {  	s3 =	sadd.s32 s3, s9;
	s6 =	sadd.s32 @!p0 $0x88, s6;
	s7 =	simm.s32 @p2 $0x1082  }
0x22: {  	[simem:s7], [sflag:s8] =	dma.local @!p0 [hbm:s6], $0xF7A  }
0x23: {  	s9 =	sor.u32 $0xD0000000, s2;
	s6 =	simm.s32 $0x108;
	_ =	swait.ge @!p0 [sflag:s8], $0x0  }
0x24: {  	s3 =	sadd.s32 $0x88, s3;
	s6 =	simm.s32 @!p1 $0x1082;
	[sflag:s4] =	ssyncset.s32 $0xFFFFF086  }
0x25: {  	[simem:s6], [sflag:s4] =	dma.local [hbm:s3], $0xF7A  }
0x26: {  	[smem:$0x3F9F] =	sst s1;
	(tag) =	ssettag s2;
	_ =	strace s9  }
0x27: {  	s1 =	sld [smem:$0x3FAF]  }
0x28: {  	s2 =	sld [smem:$0x3FB0]  }
0x29: {  	s4 =	sld [smem:$0x3FB2]  }
0x2a: {  	p0 =	seq.s32 s5, $0x0;
	s5 =	sld [smem:$0x3FB3]  }
0x2b: {  	s6 =	sld [smem:$0x3FB4]  }
0x2c: {  	s7 =	sld [smem:$0x3FB5]  }
0x2d: {  	s3 =	simm.s32 $0x108;
	s8 =	sld [smem:$0x3FB6]  }
0x2e: {  	s3 =	simm.s32 @!p0 $0x1082;
	s9 =	sld [smem:$0x3FB7]  }
0x2f: {  	lr =	sadd.s32 s0, s3;
	s0 =	sld [smem:$0x3FAE]  }
0x30: {  	s3 =	sld [smem:$0x3FB1]  }
0x31: {  	[smem:$0x3FBA] =	sst s10  }
0x32: {  	s10 =	sld [smem:$0x3FB8];
	_ =	sdelay $0x3  }
0x33: {  	p0 =	seq.s32 s10, $0x1;
	s10 =	sld [smem:$0x3FBA];
	_ =	sdelay $0x3  }
0x34: {  	[smem:$0x3FBA] =	sst s10  }
0x35: {  	s10 =	sld [smem:$0x3FB9];
	_ =	sdelay $0x3  }
0x36: {  	p1 =	seq.s32 s10, $0x1;
	s10 =	sld [smem:$0x3FBA];
	_ =	sdelay $0x3  }
0x37: {  	[smem:$0x3FBA] =	sst s10  }
0x38: {  	s10 =	sld [smem:$0x3FBB]  }
0x39: {  	_ = 	snop;
	(pc) =	sbr.ind lr, $3  }
0x3a: {  	_ = 	snop  }
0x3b: {  	_ = 	snop  }
0x3c: {  	p2 =	seq.s32 s10, $0x1;
	s10 =	sld [smem:$0x3FBA]  }
0x3d: {  	_ =	shalt  }
0x3e: {  	_ =	shalt  }
0x3f: {  	_ =	shalt  }
0x40: {  	_ =	shalt  }
0x41: {  	_ =	shalt  }
0x42: {  	_ =	shalt  }
0x43: {  	_ =	shalt  }
0x44: {  	_ =	shalt  }
0x45: {  	_ =	shalt  }
0x46: {  	_ =	shalt  }
0x47: {  	_ =	shalt  }
0x48: {  	_ =	shalt  }
0x49: {  	_ =	shalt  }
0x4a: {  	_ =	shalt  }
0x4b: {  	_ =	shalt  }
0x4c: {  	_ =	shalt  }
0x4d: {  	_ =	shalt  }
0x4e: {  	_ =	shalt  }
0x4f: {  	_ =	shalt  }
0x50: {  	_ =	shalt  }
0x51: {  	_ =	shalt  }
0x52: {  	_ =	shalt  }
0x53: {  	_ =	shalt  }
0x54: {  	_ =	shalt  }
0x55: {  	_ =	shalt  }
0x56: {  	_ =	shalt  }
0x57: {  	_ =	shalt  }
0x58: {  	_ =	shalt  }
0x59: {  	_ =	shalt  }
0x5a: {  	_ =	shalt  }
0x5b: {  	_ =	shalt  }
0x5c: {  	_ =	shalt  }
0x5d: {  	_ =	shalt  }
0x5e: {  	_ =	shalt  }
0x5f: {  	_ =	shalt  }
0x60: {  	_ =	shalt  }
0x61: {  	_ =	shalt  }
0x62: {  	_ =	shalt  }
0x63: {  	_ =	shalt  }
0x64: {  	_ =	shalt  }
0x65: {  	_ =	shalt  }
0x66: {  	_ =	shalt  }
0x67: {  	_ =	shalt  }
0x68: {  	_ =	shalt  }
0x69: {  	_ =	shalt  }
0x6a: {  	_ =	shalt  }
0x6b: {  	_ =	shalt  }
0x6c: {  	_ =	shalt  }
0x6d: {  	_ =	shalt  }
0x6e: {  	_ =	shalt  }
0x6f: {  	_ =	shalt  }
0x70: {  	_ =	shalt  }
0x71: {  	_ =	shalt  }
0x72: {  	_ =	shalt  }
0x73: {  	_ =	shalt  }
0x74: {  	_ =	shalt  }
0x75: {  	_ =	shalt  }
0x76: {  	_ =	shalt  }
0x77: {  	_ =	shalt  }
0x78: {  	_ =	shalt  }
0x79: {  	_ =	shalt  }
0x7a: {  	_ =	shalt  }
0x7b: {  	_ =	shalt  }
0x7c: {  	_ =	shalt  }
0x7d: {  	_ =	shalt  }
0x7e: {  	_ =	shalt  }
0x7f: {  	_ =	shalt  }
0x80: {  	_ =	shalt  }
0x81: {  	_ =	shalt  }
0x82: {  	_ =	shalt  }
0x83: {  	_ =	shalt  }
0x84: {  	_ =	shalt  }
0x85: {  	_ =	shalt  }
0x86: {  	_ =	shalt  }
0x87: {  	_ =	shalt  }
.Lfunc_end0:
.L_simem_size_0:
called_computation_lowered:
.L_overlay_start_0:
0x88: {  	s2 =	sld [smem:$0x3FD9]  }
0x89: {  	s3 =	sld [smem:$0x3FFE];
	_ =	sdelay $0x1  }
0x8a: {  	s1 =	srdreg.scid  }
0x8b: {  	s0 =	sand.u32 $0x1, s1  }
0x8c: {  	s17 =	sshll.u32 s0, $0xA;
	s2 =	sadd.s32 s3, s2  }
0x8d: {  	s2 =	sadd.s32 s2, s17  }
0x8e: {  	[smem:$0x3FC6] =	sst s2  }
0x8f: {  	_ = 	snop  }
0x90: {  	s2 =	sld [smem:$0x3FC9]  }
0x91: {  	s18 =	sld [smem:$0x3FD0];
	(tm) =	ssettm $0x1  }
0x92: {  	s4 =	sld [smem:$0x3FFB];
	_ =	sdelay $0x3  }
0x93: {  	_ =	strace s4  }
0x94: {  	s4 =	sld [smem:$0x3FFC];
	_ =	sdelay $0x3  }
0x95: {  	_ =	strace s4  }
0x96: {  	s4 =	sld [smem:$0x3FFD];
	_ =	sdelay $0x3  }
0x97: {  	_ =	strace s4  }
0x98: {  	_ =	strace $0x8FFFFFFF  }
0x99: {  	s19 =	sld [smem:$0x3FDB];
	_ =	sdelay $0x1  }
0x9a: {  	s5 =	simm.s32 $_scs_section_size  }
0x9b: {  	s6 =	simm.s32 $_size__tile_overlayer_lowered;
	s7 =	simm.s32 $_tile_overlayer_lowered  }
0x9c: {  	s22 =	simm.s32 $0x1BFF;
	s21 =	sshll.u32 s7, $0x1;
	s4 =	sadd.s32 s5, s19  }
0x9d: {  	s8 =	simm.s32 $0x0;
	s20 =	sshll.u32 s6, $0x1;
	s6 =	sadd.s32 s21, s4  }
0x9e: {  	[timem:s8], [sflag:s22] =	dma.local [hbm:s6], s20  }
0x9f: {  	_ =	swait.ge [sflag:s22], s20  }
0xa0: {  	s5 =	ssub.s32 $0x0, s20;
	[sflag:s22] =	ssyncset.done $0x0  }
0xa1: {  	[sflag:s22] =	ssyncadd.s32 s5;
	_ =	sdelay $0x1  }
0xa2: {  	s23 =	simm.s32 $0x1B8B  }
0xa3: {  	_ =	swait.ge [sflag:s23], $0x1  }
0xa4: {  	[sflag:s23] =	ssyncset.done $0x0  }
0xa5: {  	s25 =	simm.s32 $0x1B8E;
	s24 =	sld [smem:$0x3FFE];
	[sflag:s23] =	ssyncadd.s32 $0xFFFFFFFF  }
0xa6: {  	s26 =	simm.s32 $execute0_lowered;
	[smem:$0x3FD2] =	sst s25  }
0xa7: {  	s6 =	sshll.u32 s26, $0x1;
	_ =	strace $0x80000046;
	[dreg:$0x1] =	wrdreg $0xFFFFFFFF  }
0xa8: {  	s28 =	simm.s32 $_size_execute0_lowered;
	s4 =	sadd.s32 s4, s6;
	[dreg:$0x0] =	wrdreg $0x0  }
0xa9: {  	s6 =	sshll.u32 s28, $0x1;
	[dreg:$0x2] =	wrdreg s4  }
0xaa: {  	[dreg:$0x3] =	wrdreg s6  }
0xab: {  	[dreg:$0x4] =	wrdreg $0xC0  }
0xac: {  	_ =	task [dreg:s8], $0x5FFFF  }
0xad: {  	[dreg:$0x1] =	wrdreg $0xFFFFFFFF  }
0xae: {  	[dreg:$0x0] =	wrdreg $0x60  }
0xaf: {  	[dreg:$0x2] =	wrdreg s18  }
0xb0: {  	[dreg:$0x3] =	wrdreg s2  }
0xb1: {  	[dreg:$0x4] =	wrdreg s24  }
0xb2: {  	[dreg:$0x5] =	wrdreg $0x9  }
0xb3: {  	_ =	task.clear_ibuf [dreg:s8], $0x6FFFF;
	_ =	strace $0x90000046  }
0xb4: {  	s29 =	simm.s32 $0x9;
	_ =	strace $0x80000048  }
0xb5: {  	_ =	swait.ge [sflag:s29], $0x1  }
0xb6: {  	[sflag:s29] =	ssyncadd.s32 $0xFFFFFFFF  }
0xb7: {  	_ =	strace $0x90000048  }
0xb8: {  	_ =	sfence  }
0xb9: {  	s30 =	sld [smem:$0x0];
	_ =	sdelay $0x2  }
0xba: {  	s31 =	sshll.u32 s1, $0xD;
	s1 =	sshrl.u32 s1, $0x2  }
0xbb: {  	s3 =	sand.u32 $0x4000, s31;
	s1 =	sadd.s32 s1, s30  }
0xbc: {  	s0 =	sor.u32 s3, s0;
	s1 =	sshll.u32 s1, $0x11  }
0xbd: {  	s0 =	sor.u32 s1, s0  }
0xbe: {  	s0 =	sadd.s32 $0x8F2B, s0  }
0xbf: {  	[sflag:s0] =	ssyncadd.remote.s32 $0x1  }
0xc0: {  	_ =	sfence.sel $0xFFFF  }
0xc1: {  	[dreg:$0x0] =	wrdreg $0xFFFFFFFF;
	(pc) =	sbr.abs _section_cstart, $3  }
0xc2: {  	[dreg:$0x1] =	wrdreg $0xFFFFFFFF  }
0xc3: {  	_ =	task.clear_ibuf [dreg:s8], $0x2FFFF;
	_ =	strace $0x9FFFFFFF  }
0xc4: {  	(tm) =	ssettm $0x7FFFFFFF  }
0xc5: {  	_ =	shalt  }
tec
execute0_lowered:
.L_overlay_start_1:
0x0: {  	(tag) =	ssettag $0x1  }
0x1: {  	s1 =	srdreg.scid;
	s3 =	stileid.u32  }
0x2: {  	s1 =	sand.u32 $0x1, s1;
	s4 =	sshll.u32 s3, $0x1  }
0x3: {  	s4 =	sor.u32 s1, s4  }
0x4: {  	s5 =	smul.u32 $0xA0, s4  }
0x5: {  	s0 =	rddreg [dreg:$0x1];
	s6 =	smul.u32 $0x14, s4  }
0x6: {  	s2 =	rddreg [dreg:$0x2];
	s3 =	simm.s32 $0x0;
	s7 =	sshrl.u32 s5, $0x3  }
0x7: {  	[smem:$0x7FF] =	sst s3;
	s7 =	sadd.s32 s0, s7;
	s0 =	sadd.s32 s0, s6  }
0x8: {  	_ =	strace $0x80000047;
	[dreg:$0x4] =	wrdreg s0;
	s16 =	sadd.s32 $0x280, s7  }
0x9: {  	s17 =	sadd.s32 $0x500, s7;
	[dreg:$0x5] =	wrdreg s16  }
0xa: {  	s18 =	sadd.s32 $0x780, s7;
	[dreg:$0x6] =	wrdreg s17  }
0xb: {  	s28 =	simm.s32 $0x10C00;
	s19 =	sadd.s32 $0xA00, s7;
	[dreg:$0x7] =	wrdreg s18  }
0xc: {  	s30 =	simm.s32 $0x0;
	s20 =	sadd.s32 $0xC80, s7;
	[dreg:$0x8] =	wrdreg s19  }
0xd: {  	s1 =	ssub.s32 $0x2, s1;
	s21 =	sadd.s32 $0xF00, s7;
	[dreg:$0x9] =	wrdreg s20  }
0xe: {  	s15 =	sshrl.u32 s1, $0x1;
	s22 =	sadd.s32 $0x1180, s7;
	[dreg:$0xa] =	wrdreg s21  }
0xf: {  	p0 =	sgt.u32 s4, $0x10;
	s23 =	sadd.s32 $0x1400, s7;
	[dreg:$0xb] =	wrdreg s22  }
0x10: {  	p1 =	slt.u32 s4, $0x11;
	s24 =	sadd.s32 $0x1680, s7;
	[dreg:$0xc] =	wrdreg s23  }
0x11: {  	s1 =	ssub.s32 s1, s15;
	s25 =	sadd.s32 $0x1900, s7;
	[dreg:$0xd] =	wrdreg s24  }
0x12: {  	s5 =	sadd.s32 $0x600, s2;
	s26 =	sadd.s32 $0x1B80, s7;
	[dreg:$0xe] =	wrdreg s25  }
.Ltmp0:
0x13: {  	s29 =	sadd.s32 $0x1E00, s7;
	[dreg:$0xf] =	wrdreg s26;
	(pc) =	sbr.rel .LBB2_1-.Ltmp0, $4  }
0x14: {  	s31 =	sadd.s32 $0x2080, s7;
	s0 =	simm.s32 $0x1;
	[dreg:$0x10] =	wrdreg s29  }
0x15: {  	[dreg:$0x11] =	wrdreg s31;
	s20 =	sadd.s32 $0x2300, s7;
	s21 =	sadd.s32 $0x2580, s7  }
0x16: {  	s22 =	sadd.s32 $0x2800, s7;
	s23 =	sadd.s32 $0x2A80, s7;
	s24 =	sadd.s32 $0x2D00, s7  }
0x17: {  	s25 =	sadd.s32 $0x2F80, s7;
	s26 =	smax.u32 s1, $0x1;
	s1 =	simm.s32 $0x6C00  }
.LBB2_5:
0x18: {  	s2 =	simm.s32 $0x2  }
.LBB2_10:
0x19: {  	_ =	swait.ge [sflag:s2], $0xA000  }
0x1a: {  	[sflag:s2] =	ssyncset.done $0x0  }
0x1b: {  	[sflag:s2] =	ssyncadd.s32 $0xFFFF6000  }
.LBB2_11:
0x1c: {  	s30 =	sadd.s32 $0x1, s30  }
0x1d: {  	p2 =	sne.s32 s30, s26  }
.Ltmp1:
0x1e: {  	_ = 	snop;
	(pc) =	sbr.rel @!p2 .LBB2_12-.Ltmp1, $1  }
0x1f: {  	_ =	sdelay $0x3  }
.LBB2_1:
0x20: {  	s2 =	rddreg [dreg:$0x0];
	s6 =	simm.s32 $0xD00  }
0x21: {  	[tilespmem:s6], [sflag:$0x1] =	stream.linear.gather [hbm4b:s2+s3], $0x5F00, $0x38;
	[tilespmem:$0x1AC00] =	vst v63  }
0x22: {  	s15 =	rddreg [dreg:$0x4]  }
0x23: {  	[tilespmem:s3], [sflag:$0x1] =	stream.linear.gather [hbm4b:s15+s3], $0xA0, $0x38;
	[tilespmem:$0x1AC00] =	vst v63  }
0x24: {  	s16 =	rddreg [dreg:$0x5];
	s17 =	simm.s32 $0xA0  }
0x25: {  	[tilespmem:s17], [sflag:$0x1] =	stream.linear.gather [hbm4b:s16+s3], $0xA0, $0x38;
	[tilespmem:$0x1AC00] =	vst v63  }
0x26: {  	s18 =	rddreg [dreg:$0x6];
	s19 =	simm.s32 $0x140  }
0x27: {  	[tilespmem:s19], [sflag:$0x1] =	stream.linear.gather [hbm4b:s18+s3], $0xA0, $0x38;
	[tilespmem:$0x1AC00] =	vst v63  }
0x28: {  	s7 =	simm.s32 $0x1E0;
	s6 =	rddreg [dreg:$0x7]  }
0x29: {  	[tilespmem:s7], [sflag:$0x1] =	stream.linear.gather [hbm4b:s6+s3], $0xA0, $0x38;
	[tilespmem:$0x1AC00] =	vst v63  }
0x2a: {  	s8 =	rddreg [dreg:$0x8];
	s9 =	simm.s32 $0x280  }
0x2b: {  	[tilespmem:s9], [sflag:$0x1] =	stream.linear.gather [hbm4b:s8+s3], $0xA0, $0x38;
	[tilespmem:$0x1AC00] =	vst v63  }
0x2c: {  	s10 =	rddreg [dreg:$0x9];
	s11 =	simm.s32 $0x320  }
0x2d: {  	[tilespmem:s11], [sflag:$0x1] =	stream.linear.gather [hbm4b:s10+s3], $0xA0, $0x38;
	[tilespmem:$0x1AC00] =	vst v63  }
0x2e: {  	s12 =	rddreg [dreg:$0xa];
	s13 =	simm.s32 $0x3C0  }
0x2f: {  	[tilespmem:s13], [sflag:$0x1] =	stream.linear.gather [hbm4b:s12+s3], $0xA0, $0x38;
	[tilespmem:$0x1AC00] =	vst v63  }
0x30: {  	s14 =	rddreg [dreg:$0xb];
	s15 =	simm.s32 $0x460  }
0x31: {  	[tilespmem:s15], [sflag:$0x1] =	stream.linear.gather [hbm4b:s14+s3], $0xA0, $0x38;
	[tilespmem:$0x1AC00] =	vst v63  }
0x32: {  	s16 =	rddreg [dreg:$0xc];
	s17 =	simm.s32 $0x500  }
0x33: {  	[tilespmem:s17], [sflag:$0x1] =	stream.linear.gather [hbm4b:s16+s3], $0xA0, $0x38;
	[tilespmem:$0x1AC00] =	vst v63  }
0x34: {  	s18 =	rddreg [dreg:$0xd];
	s19 =	simm.s32 $0x5A0  }
0x35: {  	[tilespmem:s19], [sflag:$0x1] =	stream.linear.gather [hbm4b:s18+s3], $0xA0, $0x38;
	[tilespmem:$0x1AC00] =	vst v63  }
0x36: {  	s7 =	rddreg [dreg:$0xe];
	s8 =	simm.s32 $0x640  }
0x37: {  	[tilespmem:s8], [sflag:$0x1] =	stream.linear.gather [hbm4b:s7+s3], $0xA0, $0x38;
	[tilespmem:$0x1AC00] =	vst v63  }
0x38: {  	s9 =	rddreg [dreg:$0xf];
	s10 =	simm.s32 $0x6E0  }
0x39: {  	[tilespmem:s10], [sflag:$0x1] =	stream.linear.gather [hbm4b:s9+s3], $0xA0, $0x38;
	[tilespmem:$0x1AC00] =	vst v63  }
0x3a: {  	s11 =	rddreg [dreg:$0x10];
	s12 =	simm.s32 $0x780  }
0x3b: {  	[tilespmem:s12], [sflag:$0x1] =	stream.linear.gather [hbm4b:s11+s3], $0xA0, $0x38;
	[tilespmem:$0x1AC00] =	vst v63  }
0x3c: {  	s13 =	rddreg [dreg:$0x11];
	s14 =	simm.s32 $0x820  }
0x3d: {  	[tilespmem:s14], [sflag:$0x1] =	stream.linear.gather [hbm4b:s13+s3], $0xA0, $0x38;
	[tilespmem:$0x1AC00] =	vst v63  }
0x3e: {  	s15 =	simm.s32 $0x8C0  }
0x3f: {  	[tilespmem:s15], [sflag:$0x1] =	stream.linear.gather [hbm4b:s20+s3], $0xA0, $0x38;
	[tilespmem:$0x1AC00] =	vst v63  }
0x40: {  	s16 =	simm.s32 $0x960  }
0x41: {  	[tilespmem:s16], [sflag:$0x1] =	stream.linear.gather [hbm4b:s21+s3], $0xA0, $0x38;
	[tilespmem:$0x1AC00] =	vst v63  }
0x42: {  	s17 =	simm.s32 $0xA00  }
0x43: {  	[tilespmem:s17], [sflag:$0x1] =	stream.linear.gather [hbm4b:s22+s3], $0xA0, $0x38;
	[tilespmem:$0x1AC00] =	vst v63  }
0x44: {  	s18 =	simm.s32 $0xAA0  }
0x45: {  	[tilespmem:s18], [sflag:$0x1] =	stream.linear.gather [hbm4b:s23+s3], $0xA0, $0x38;
	[tilespmem:$0x1AC00] =	vst v63  }
0x46: {  	s19 =	simm.s32 $0xB40  }
0x47: {  	[tilespmem:s19], [sflag:$0x1] =	stream.linear.gather [hbm4b:s24+s3], $0xA0, $0x38;
	[tilespmem:$0x1AC00] =	vst v63  }
0x48: {  	s2 =	simm.s32 @!p0 $0x0;
	s6 =	simm.s32 @!p0 $0xBE0  }
0x49: {  	[tilespmem:s6], [sflag:$0x1] =	stream.linear.gather @!p0 [hbm4b:s25+s2], $0xA0, $0x38;
	[tilespmem:$0x1AC00] =	vst v63  }
0x4a: {  	_ =	swait.ge [sflag:s0], $0x5F00  }
0x4b: {  	[sflag:s0] =	ssyncset.done $0x0  }
0x4c: {  	[sflag:s0] =	ssyncadd.s32 $0xFFFFA100  }
0x4d: {  	_ =	swait.ge [sflag:s0], $0xA0  }
0x4e: {  	[sflag:s0] =	ssyncset.done $0x0  }
0x4f: {  	[sflag:s0] =	ssyncadd.s32 $0xFFFFFF60  }
0x50: {  	_ =	swait.ge [sflag:s0], $0xA0  }
0x51: {  	[sflag:s0] =	ssyncset.done $0x0  }
0x52: {  	[sflag:s0] =	ssyncadd.s32 $0xFFFFFF60  }
0x53: {  	_ =	swait.ge [sflag:s0], $0xA0  }
0x54: {  	[sflag:s0] =	ssyncset.done $0x0  }
0x55: {  	[sflag:s0] =	ssyncadd.s32 $0xFFFFFF60  }
0x56: {  	_ =	swait.ge [sflag:s0], $0xA0  }
0x57: {  	[sflag:s0] =	ssyncset.done $0x0  }
0x58: {  	[sflag:s0] =	ssyncadd.s32 $0xFFFFFF60  }
0x59: {  	_ =	swait.ge [sflag:s0], $0xA0  }
0x5a: {  	[sflag:s0] =	ssyncset.done $0x0  }
0x5b: {  	[sflag:s0] =	ssyncadd.s32 $0xFFFFFF60  }
0x5c: {  	_ =	swait.ge [sflag:s0], $0xA0  }
0x5d: {  	[sflag:s0] =	ssyncset.done $0x0  }
0x5e: {  	[sflag:s0] =	ssyncadd.s32 $0xFFFFFF60  }
0x5f: {  	_ =	swait.ge [sflag:s0], $0xA0  }
0x60: {  	[sflag:s0] =	ssyncset.done $0x0  }
0x61: {  	[sflag:s0] =	ssyncadd.s32 $0xFFFFFF60  }
0x62: {  	_ =	swait.ge [sflag:s0], $0xA0  }
0x63: {  	[sflag:s0] =	ssyncset.done $0x0  }
0x64: {  	[sflag:s0] =	ssyncadd.s32 $0xFFFFFF60  }
0x65: {  	_ =	swait.ge [sflag:s0], $0xA0  }
0x66: {  	[sflag:s0] =	ssyncset.done $0x0  }
0x67: {  	[sflag:s0] =	ssyncadd.s32 $0xFFFFFF60  }
0x68: {  	_ =	swait.ge [sflag:s0], $0xA0  }
0x69: {  	[sflag:s0] =	ssyncset.done $0x0  }
0x6a: {  	[sflag:s0] =	ssyncadd.s32 $0xFFFFFF60  }
0x6b: {  	_ =	swait.ge [sflag:s0], $0xA0  }
0x6c: {  	[sflag:s0] =	ssyncset.done $0x0  }
0x6d: {  	[sflag:s0] =	ssyncadd.s32 $0xFFFFFF60  }
0x6e: {  	_ =	swait.ge [sflag:s0], $0xA0  }
0x6f: {  	[sflag:s0] =	ssyncset.done $0x0  }
0x70: {  	[sflag:s0] =	ssyncadd.s32 $0xFFFFFF60  }
0x71: {  	_ =	swait.ge [sflag:s0], $0xA0  }
0x72: {  	[sflag:s0] =	ssyncset.done $0x0  }
0x73: {  	[sflag:s0] =	ssyncadd.s32 $0xFFFFFF60  }
0x74: {  	_ =	swait.ge [sflag:s0], $0xA0  }
0x75: {  	[sflag:s0] =	ssyncset.done $0x0  }
0x76: {  	[sflag:s0] =	ssyncadd.s32 $0xFFFFFF60  }
0x77: {  	_ =	swait.ge [sflag:s0], $0xA0  }
0x78: {  	[sflag:s0] =	ssyncset.done $0x0  }
0x79: {  	[sflag:s0] =	ssyncadd.s32 $0xFFFFFF60  }
0x7a: {  	_ =	swait.ge [sflag:s0], $0xA0  }
0x7b: {  	[sflag:s0] =	ssyncset.done $0x0  }
0x7c: {  	[sflag:s0] =	ssyncadd.s32 $0xFFFFFF60  }
0x7d: {  	_ =	swait.ge [sflag:s0], $0xA0  }
0x7e: {  	[sflag:s0] =	ssyncset.done $0x0  }
0x7f: {  	[sflag:s0] =	ssyncadd.s32 $0xFFFFFF60  }
0x80: {  	_ =	swait.ge [sflag:s0], $0xA0  }
0x81: {  	[sflag:s0] =	ssyncset.done $0x0  }
0x82: {  	[sflag:s0] =	ssyncadd.s32 $0xFFFFFF60  }
0x83: {  	_ =	swait.ge [sflag:s0], $0xA0  }
0x84: {  	[sflag:s0] =	ssyncset.done $0x0  }
0x85: {  	s2 =	simm.s32 @!p0 $0x1;
	[sflag:s0] =	ssyncadd.s32 $0xFFFFFF60  }
0x86: {  	_ =	swait.ge @!p0 [sflag:s2], $0xA0  }
0x87: {  	s31 =	simm.s32 $0xA3;
	[sflag:s2] =	ssyncset.done @!p0 $0x0  }
0x88: {  	s29 =	simm.s32 $0x0;
	[sflag:s2] =	ssyncadd.s32 @!p0 $0xFFFFFF60;
	s2 =	simm.s32 $0x2  }
.LBB2_2:
0x89: {  	p2 =	seq.s32 s29, $0x0  }
0x8a: {  	s6 =	simm.s32 @!p2 $0x2  }
0x8b: {  	_ =	swait.ge @!p2 [sflag:s6], $0xA000  }
0x8c: {  	[sflag:s6] =	ssyncset.done @!p2 $0x0  }
0x8d: {  	[sflag:s6] =	ssyncadd.s32 @!p2 $0xFFFF6000  }
0x8e: {  	v0 =	vld [tilespmem:s2+$0x1];
	_ =	sdelay $0x1  }
0x8f: {  	v1 =	vld [tilespmem:s2+$0xFFFFFFFF];
	_ =	sdelay $0x2  }
0x90: {  	v2 =	vld [tilespmem:s2+$0x0];
	(v2sf) =	vpush v0, $0x0;
	_ =	sdelay $0x1  }
0x91: {  	v0 =	vld [tilespmem:s2+$0xFFFFFFFE];
	(v2sf) =	vpush v1, $0x0;
	_ =	sdelay $0x2  }
0x92: {  	(v2sf) =	vpush v2, $0x0;
	_ =	sdelay $0x1  }
0x93: {  	(v2sf) =	vpush v0, $0x0;
	_ =	sdelay $0x7  }
0x94: {  	s15 =	spop (v2sf)  }
0x95: {  	s6 =	sshll.u32 s15, $0xA  }
0x96: {  	s7 =	spop (v2sf);
	s15 =	sshra.s32 s6, $0x2  }
0x97: {  	s16 =	sshll.u32 s7, $0xA;
	v0 =	vld [tilespmem:s15+$0xD00]  }
0x98: {  	s7 =	sshra.s32 s16, $0x2  }
0x99: {  	s17 =	spop (v2sf);
	v1 =	vld [tilespmem:s7+$0xD00]  }
0x9a: {  	s8 =	sshll.u32 s17, $0xA  }
0x9b: {  	s6 =	simm.s32 $0x6E00;
	s8 =	sshra.s32 s8, $0x2;
	s9 =	spop (v2sf)  }
0x9c: {  	v2 =	vld [tilespmem:s8+$0xD00];
	s9 =	sshll.u32 s9, $0xA;
	[tilespmem:s6+$0x100] =	vst v0  }
0x9d: {  	s9 =	sshra.s32 s9, $0x2;
	v0 =	vld [tilespmem:s15+$0xD10]  }
0x9e: {  	v3 =	vld [tilespmem:s9+$0xD00];
	[tilespmem:s6+$0xFFFFFF00] =	vst v1  }
0x9f: {  	v1 =	vld [tilespmem:s7+$0xD10];
	_ =	sdelay $0x1  }
0xa0: {  	[tilespmem:s6+$0x0] =	vst v2  }
0xa1: {  	v2 =	vld [tilespmem:s8+$0xD10];
	[tilespmem:s6+$0x110] =	vst v0  }
0xa2: {  	[tilespmem:s6+$0xFFFFFE00] =	vst v3;
	v0 =	vld [tilespmem:s15+$0xD20]  }
0xa3: {  	v3 =	vld [tilespmem:s9+$0xD10];
	[tilespmem:s6+$0xFFFFFF10] =	vst v1  }
0xa4: {  	v1 =	vld [tilespmem:s7+$0xD20];
	_ =	sdelay $0x1  }
0xa5: {  	[tilespmem:s6+$0x10] =	vst v2  }
0xa6: {  	v2 =	vld [tilespmem:s8+$0xD20];
	[tilespmem:s6+$0x120] =	vst v0  }
0xa7: {  	[tilespmem:s6+$0xFFFFFE10] =	vst v3;
	v0 =	vld [tilespmem:s15+$0xD30]  }
0xa8: {  	v3 =	vld [tilespmem:s9+$0xD20];
	[tilespmem:s6+$0xFFFFFF20] =	vst v1  }
0xa9: {  	v1 =	vld [tilespmem:s7+$0xD30];
	_ =	sdelay $0x1  }
0xaa: {  	[tilespmem:s6+$0x20] =	vst v2  }
0xab: {  	v2 =	vld [tilespmem:s8+$0xD30];
	[tilespmem:s6+$0x130] =	vst v0  }
0xac: {  	[tilespmem:s6+$0xFFFFFE20] =	vst v3;
	v0 =	vld [tilespmem:s15+$0xD40]  }
0xad: {  	v3 =	vld [tilespmem:s9+$0xD30];
	[tilespmem:s6+$0xFFFFFF30] =	vst v1  }
0xae: {  	v1 =	vld [tilespmem:s7+$0xD40];
	_ =	sdelay $0x1  }
0xaf: {  	[tilespmem:s6+$0x30] =	vst v2  }
0xb0: {  	v2 =	vld [tilespmem:s8+$0xD40];
	[tilespmem:s6+$0x140] =	vst v0  }
0xb1: {  	[tilespmem:s6+$0xFFFFFE30] =	vst v3;
	v0 =	vld [tilespmem:s15+$0xD50]  }
0xb2: {  	v3 =	vld [tilespmem:s9+$0xD40];
	[tilespmem:s6+$0xFFFFFF40] =	vst v1  }
0xb3: {  	v1 =	vld [tilespmem:s7+$0xD50]  }
0xb4: {  	s16 =	sadd.s32 $0x4, s2  }
0xb5: {  	v4 =	vld [tilespmem:s16+$0x1];
	[tilespmem:s6+$0x40] =	vst v2  }
0xb6: {  	v2 =	vld [tilespmem:s8+$0xD50];
	[tilespmem:s6+$0x150] =	vst v0  }
0xb7: {  	[tilespmem:s6+$0xFFFFFE40] =	vst v3;
	v0 =	vld [tilespmem:s15+$0xD60]  }
0xb8: {  	v3 =	vld [tilespmem:s9+$0xD50];
	[tilespmem:s6+$0xFFFFFF50] =	vst v1  }
0xb9: {  	v1 =	vld [tilespmem:s7+$0xD60]  }
0xba: {  	v5 =	vld [tilespmem:s16+$0xFFFFFFFF]  }
0xbb: {  	v6 =	vld [tilespmem:s16+$0x0];
	[tilespmem:s6+$0x50] =	vst v2  }
0xbc: {  	v2 =	vld [tilespmem:s8+$0xD60];
	[tilespmem:s6+$0x160] =	vst v0  }
0xbd: {  	[tilespmem:s6+$0xFFFFFE50] =	vst v3;
	v0 =	vld [tilespmem:s15+$0xD70]  }
0xbe: {  	v3 =	vld [tilespmem:s9+$0xD60];
	[tilespmem:s6+$0xFFFFFF60] =	vst v1  }
0xbf: {  	v1 =	vld [tilespmem:s7+$0xD70]  }
0xc0: {  	(v2sf) =	vpush v4, $0x0;
	v4 =	vld [tilespmem:s16+$0xFFFFFFFE]  }
0xc1: {  	[tilespmem:s6+$0x60] =	vst v2  }
0xc2: {  	v2 =	vld [tilespmem:s8+$0xD70];
	[tilespmem:s6+$0x170] =	vst v0  }
0xc3: {  	(v2sf) =	vpush v5, $0x0;
	[tilespmem:s6+$0xFFFFFE60] =	vst v3;
	v0 =	vld [tilespmem:s15+$0xD80]  }
0xc4: {  	(v2sf) =	vpush v6, $0x0;
	[tilespmem:s6+$0xFFFFFF70] =	vst v1;
	v1 =	vld [tilespmem:s9+$0xD70]  }
0xc5: {  	(v2sf) =	vpush v4, $0x0;
	_ =	sdelay $0x1  }
0xc6: {  	v3 =	vld [tilespmem:s7+$0xD80];
	[tilespmem:s6+$0x70] =	vst v2  }
0xc7: {  	v2 =	vld [tilespmem:s8+$0xD80];
	[tilespmem:s6+$0x180] =	vst v0  }
0xc8: {  	[tilespmem:s6+$0xFFFFFE70] =	vst v1;
	v0 =	vld [tilespmem:s15+$0xD90]  }
0xc9: {  	v1 =	vld [tilespmem:s9+$0xD80];
	_ =	sdelay $0x1  }
0xca: {  	[tilespmem:s6+$0xFFFFFF80] =	vst v3  }
0xcb: {  	v3 =	vld [tilespmem:s7+$0xD90];
	[tilespmem:s6+$0x80] =	vst v2  }
0xcc: {  	v2 =	vld [tilespmem:s8+$0xD90];
	[tilespmem:s6+$0x190] =	vst v0  }
0xcd: {  	s10 =	spop (v2sf);
	[tilespmem:s6+$0xFFFFFE80] =	vst v1;
	v0 =	vld [tilespmem:s15+$0xDA0]  }
0xce: {  	s10 =	sshll.u32 s10, $0xA;
	v1 =	vld [tilespmem:s9+$0xD90]  }
0xcf: {  	s10 =	sshra.s32 s10, $0x2  }
0xd0: {  	s11 =	spop (v2sf);
	v4 =	vld [tilespmem:s10+$0xD00];
	[tilespmem:s6+$0xFFFFFF90] =	vst v3  }
0xd1: {  	s11 =	sshll.u32 s11, $0xA;
	s12 =	spop (v2sf);
	v3 =	vld [tilespmem:s7+$0xDA0];
	[tilespmem:s6+$0x90] =	vst v2  }
0xd2: {  	s13 =	sshra.s32 s11, $0x2;
	s19 =	spop (v2sf);
	v2 =	vld [tilespmem:s8+$0xDA0];
	[tilespmem:s6+$0x1A0] =	vst v0  }
0xd3: {  	s11 =	sshll.u32 s19, $0xA;
	[tilespmem:s6+$0xFFFFFE90] =	vst v1;
	v1 =	vld [tilespmem:s13+$0xD00]  }
0xd4: {  	s18 =	sshll.u32 s12, $0xA;
	s14 =	sshra.s32 s11, $0x2;
	s11 =	simm.s32 $0x7200;
	v0 =	vld [tilespmem:s15+$0xDB0]  }
0xd5: {  	s12 =	sshra.s32 s18, $0x2;
	[tilespmem:s11+$0x100] =	vst v4  }
0xd6: {  	[tilespmem:s6+$0xFFFFFFA0] =	vst v3;
	v3 =	vld [tilespmem:s12+$0xD00]  }
0xd7: {  	v5 =	vld [tilespmem:s9+$0xDA0];
	[tilespmem:s6+$0xA0] =	vst v2  }
0xd8: {  	v2 =	vld [tilespmem:s14+$0xD00];
	[tilespmem:s11+$0xFFFFFF00] =	vst v1  }
0xd9: {  	v1 =	vld [tilespmem:s10+$0xD10];
	[tilespmem:s6+$0x1B0] =	vst v0  }
0xda: {  	v0 =	vld [tilespmem:s15+$0xDC0]  }
0xdb: {  	v4 =	vld [tilespmem:s13+$0xD10];
	[tilespmem:s11+$0x0] =	vst v3  }
0xdc: {  	[tilespmem:s6+$0xFFFFFEA0] =	vst v5;
	v3 =	vld [tilespmem:s12+$0xD10]  }
0xdd: {  	v5 =	vld [tilespmem:s9+$0xDB0];
	[tilespmem:s11+$0xFFFFFE00] =	vst v2  }
0xde: {  	v2 =	vld [tilespmem:s14+$0xD10];
	[tilespmem:s11+$0x110] =	vst v1  }
0xdf: {  	v1 =	vld [tilespmem:s10+$0xD20];
	[tilespmem:s6+$0x1C0] =	vst v0  }
0xe0: {  	[tilespmem:s11+$0xFFFFFF10] =	vst v4;
	v0 =	vld [tilespmem:s15+$0xDD0]  }
0xe1: {  	v4 =	vld [tilespmem:s13+$0xD20];
	[tilespmem:s11+$0x10] =	vst v3  }
0xe2: {  	[tilespmem:s6+$0xFFFFFEB0] =	vst v5;
	v3 =	vld [tilespmem:s12+$0xD20]  }
0xe3: {  	v5 =	vld [tilespmem:s7+$0xDB0];
	[tilespmem:s11+$0xFFFFFE10] =	vst v2  }
0xe4: {  	v2 =	vld [tilespmem:s14+$0xD20];
	[tilespmem:s11+$0x120] =	vst v1  }
0xe5: {  	v1 =	vld [tilespmem:s10+$0xD30];
	[tilespmem:s6+$0x1D0] =	vst v0  }
0xe6: {  	[tilespmem:s11+$0xFFFFFF20] =	vst v4;
	v0 =	vld [tilespmem:s15+$0xDE0]  }
0xe7: {  	v4 =	vld [tilespmem:s13+$0xD30];
	[tilespmem:s11+$0x20] =	vst v3  }
0xe8: {  	[tilespmem:s6+$0xFFFFFFB0] =	vst v5;
	v3 =	vld [tilespmem:s12+$0xD30]  }
0xe9: {  	v5 =	vld [tilespmem:s8+$0xDB0];
	[tilespmem:s11+$0xFFFFFE20] =	vst v2  }
0xea: {  	v2 =	vld [tilespmem:s14+$0xD30];
	[tilespmem:s11+$0x130] =	vst v1  }
0xeb: {  	v1 =	vld [tilespmem:s10+$0xD40];
	[tilespmem:s6+$0x1E0] =	vst v0  }
0xec: {  	[tilespmem:s11+$0xFFFFFF30] =	vst v4;
	v0 =	vld [tilespmem:s15+$0xDF0]  }
0xed: {  	v4 =	vld [tilespmem:s13+$0xD40];
	[tilespmem:s11+$0x30] =	vst v3  }
0xee: {  	[tilespmem:s6+$0xB0] =	vst v5;
	v3 =	vld [tilespmem:s12+$0xD40]  }
0xef: {  	v5 =	vld [tilespmem:s9+$0xDC0];
	[tilespmem:s11+$0xFFFFFE30] =	vst v2  }
0xf0: {  	v2 =	vld [tilespmem:s14+$0xD40];
	[tilespmem:s11+$0x140] =	vst v1  }
0xf1: {  	[tilespmem:s6+$0x1F0] =	vst v0;
	v0 =	vld [tilespmem:s7+$0xDC0]  }
0xf2: {  	[tilespmem:s11+$0xFFFFFF40] =	vst v4;
	v1 =	vld [tilespmem:s10+$0xD50]  }
0xf3: {  	v4 =	vld [tilespmem:s13+$0xD50];
	[tilespmem:s11+$0x40] =	vst v3  }
0xf4: {  	[tilespmem:s6+$0xFFFFFEC0] =	vst v5;
	v3 =	vld [tilespmem:s12+$0xD50]  }
0xf5: {  	[tilespmem:s11+$0xFFFFFE40] =	vst v2;
	v2 =	vld [tilespmem:s9+$0xDD0]  }
0xf6: {  	[tilespmem:s6+$0xFFFFFFC0] =	vst v0;
	v0 =	vld [tilespmem:s8+$0xDC0]  }
0xf7: {  	v5 =	vld [tilespmem:s14+$0xD50];
	[tilespmem:s11+$0x150] =	vst v1  }
0xf8: {  	[tilespmem:s11+$0xFFFFFF50] =	vst v4;
	v4 =	vld [tilespmem:s10+$0xD60]  }
0xf9: {  	v6 =	vld [tilespmem:s13+$0xD60];
	[tilespmem:s11+$0x50] =	vst v3  }
0xfa: {  	[tilespmem:s6+$0xFFFFFED0] =	vst v2;
	v7 =	vld [tilespmem:s12+$0xD60]  }
0xfb: {  	v8 =	vld [tilespmem:s7+$0xDD0];
	[tilespmem:s6+$0xC0] =	vst v0  }
0xfc: {  	[tilespmem:s11+$0xFFFFFE50] =	vst v5;
	v0 =	vld [tilespmem:s8+$0xDD0]  }
0xfd: {  	v1 =	vld [tilespmem:s14+$0xD60];
	[tilespmem:s11+$0x160] =	vst v4  }
0xfe: {  	[tilespmem:s11+$0xFFFFFF60] =	vst v6;
	v3 =	vld [tilespmem:s10+$0xD70]  }
0xff: {  	p3 =	sne.s32 s29, $0x9;
	v2 =	vld [tilespmem:s13+$0xD70];
	[tilespmem:s11+$0x60] =	vst v7  }
0x100: {  	p3 =	por p1, p3;
	s16 =	sadd.s32 $0x4, s16;
	s15 =	simm.s32 $0x4;
	[tilespmem:s6+$0xFFFFFFD0] =	vst v8;
	v4 =	vld [tilespmem:s12+$0xD70]  }
.LBB2_3:
0x101: {  	v5 =	vld [tilespmem:s16+$0x1];
	s15 =	sadd.s32 $0x4, s15;
	[tilespmem:s6+$0xD0] =	vst v0  }
0x102: {  	v0 =	vld [tilespmem:s16+$0xFFFFFFFF];
	p4 =	slt.u32 s15, $0x9C;
	[tilespmem:s11+$0xFFFFFE60] =	vst v1  }
0x103: {  	v1 =	vld [tilespmem:s16+$0x0];
	[tilespmem:s11+$0x170] =	vst v3  }
0x104: {  	[tilespmem:s11+$0xFFFFFF70] =	vst v2;
	v2 =	vld [tilespmem:s10+$0xD80]  }
0x105: {  	v3 =	vld [tilespmem:s16+$0xFFFFFFFE];
	[tilespmem:s11+$0x70] =	vst v4  }
0x106: {  	(v2sf) =	vpush v5, $0x0;
	v4 =	vld [tilespmem:s14+$0xD70]  }
0x107: {  	(v2sf) =	vpush v0, $0x0;
	v0 =	vld [tilespmem:s13+$0xD80]  }
0x108: {  	(v2sf) =	vpush v1, $0x0;
	v1 =	vld [tilespmem:s12+$0xD80]  }
0x109: {  	[tilespmem:s11+$0x180] =	vst v2;
	v2 =	vld [tilespmem:s9+$0xDE0]  }
0x10a: {  	(v2sf) =	vpush v3, $0x0;
	v3 =	vld [tilespmem:s10+$0xD90]  }
0x10b: {  	[tilespmem:s11+$0xFFFFFE70] =	vst v4;
	v4 =	vld [tilespmem:s7+$0xDE0]  }
0x10c: {  	v5 =	vld [tilespmem:s14+$0xD80];
	[tilespmem:s11+$0xFFFFFF80] =	vst v0  }
0x10d: {  	v0 =	vld [tilespmem:s13+$0xD90];
	[tilespmem:s11+$0x80] =	vst v1  }
0x10e: {  	v1 =	vld [tilespmem:s12+$0xD90];
	[tilespmem:s6+$0xFFFFFEE0] =	vst v2  }
0x10f: {  	[tilespmem:s11+$0x190] =	vst v3;
	v2 =	vld [tilespmem:s8+$0xDE0]  }
0x110: {  	v3 =	vld [tilespmem:s10+$0xDA0];
	[tilespmem:s6+$0xFFFFFFE0] =	vst v4  }
0x111: {  	[tilespmem:s11+$0xFFFFFE80] =	vst v5;
	v4 =	vld [tilespmem:s9+$0xDF0];
	s9 =	smov.u32 s14  }
0x112: {  	v5 =	vld [tilespmem:s9+$0xD90];
	[tilespmem:s11+$0xFFFFFF90] =	vst v0  }
0x113: {  	v0 =	vld [tilespmem:s13+$0xDA0];
	[tilespmem:s11+$0x90] =	vst v1  }
0x114: {  	v1 =	vld [tilespmem:s12+$0xDA0];
	[tilespmem:s6+$0xE0] =	vst v2  }
0x115: {  	s14 =	spop (v2sf);
	[tilespmem:s11+$0x1A0] =	vst v3;
	v2 =	vld [tilespmem:s7+$0xDF0];
	s7 =	smov.u32 s13  }
0x116: {  	s13 =	sshll.u32 s14, $0xA;
	s14 =	spop (v2sf);
	v3 =	vld [tilespmem:s10+$0xDB0];
	[tilespmem:s6+$0xFFFFFEF0] =	vst v4  }
0x117: {  	s14 =	sshll.u32 s14, $0xA;
	s17 =	sshra.s32 s13, $0x2;
	s18 =	spop (v2sf);
	[tilespmem:s11+$0xFFFFFE90] =	vst v5;
	v4 =	vld [tilespmem:s8+$0xDF0]  }
0x118: {  	s8 =	smov.u32 s12;
	s13 =	sshra.s32 s14, $0x2;
	s14 =	sshll.u32 s18, $0xA;
	v5 =	vld [tilespmem:s17+$0xD00];
	[tilespmem:s11+$0xFFFFFFA0] =	vst v0  }
0x119: {  	v0 =	vld [tilespmem:s13+$0xD00];
	s12 =	sshra.s32 s14, $0x2;
	s14 =	spop (v2sf);
	[tilespmem:s11+$0xA0] =	vst v1  }
0x11a: {  	s14 =	sshll.u32 s14, $0xA;
	v1 =	vld [tilespmem:s12+$0xD00];
	[tilespmem:s6+$0xFFFFFFF0] =	vst v2  }
0x11b: {  	s14 =	sshra.s32 s14, $0x2;
	v2 =	vld [tilespmem:s9+$0xDA0];
	[tilespmem:s11+$0x1B0] =	vst v3  }
0x11c: {  	v3 =	vld [tilespmem:s10+$0xDC0];
	[tilespmem:s6+$0xF0] =	vst v4;
	s6 =	smov.u32 s11;
	s11 =	sadd.s32 $0x400, s11  }
0x11d: {  	v4 =	vld [tilespmem:s14+$0xD00];
	[tilespmem:s11+$0x100] =	vst v5  }
0x11e: {  	[tilespmem:s11+$0xFFFFFF00] =	vst v0;
	v0 =	vld [tilespmem:s17+$0xD10]  }
0x11f: {  	v5 =	vld [tilespmem:s13+$0xD10];
	[tilespmem:s11+$0x0] =	vst v1  }
0x120: {  	v1 =	vld [tilespmem:s12+$0xD10];
	[tilespmem:s6+$0xFFFFFEA0] =	vst v2  }
0x121: {  	v2 =	vld [tilespmem:s9+$0xDB0];
	[tilespmem:s6+$0x1C0] =	vst v3  }
0x122: {  	[tilespmem:s11+$0xFFFFFE00] =	vst v4;
	v3 =	vld [tilespmem:s10+$0xDD0]  }
0x123: {  	v4 =	vld [tilespmem:s14+$0xD10];
	[tilespmem:s11+$0x110] =	vst v0  }
0x124: {  	[tilespmem:s11+$0xFFFFFF10] =	vst v5;
	v0 =	vld [tilespmem:s17+$0xD20]  }
0x125: {  	v5 =	vld [tilespmem:s13+$0xD20];
	[tilespmem:s11+$0x10] =	vst v1  }
0x126: {  	v1 =	vld [tilespmem:s12+$0xD20];
	[tilespmem:s6+$0xFFFFFEB0] =	vst v2  }
0x127: {  	v2 =	vld [tilespmem:s7+$0xDB0];
	[tilespmem:s6+$0x1D0] =	vst v3  }
0x128: {  	[tilespmem:s11+$0xFFFFFE10] =	vst v4;
	v3 =	vld [tilespmem:s10+$0xDE0]  }
0x129: {  	v4 =	vld [tilespmem:s14+$0xD20];
	[tilespmem:s11+$0x120] =	vst v0  }
0x12a: {  	[tilespmem:s11+$0xFFFFFF20] =	vst v5;
	v0 =	vld [tilespmem:s17+$0xD30]  }
0x12b: {  	v5 =	vld [tilespmem:s13+$0xD30];
	[tilespmem:s11+$0x20] =	vst v1  }
0x12c: {  	v1 =	vld [tilespmem:s12+$0xD30];
	[tilespmem:s6+$0xFFFFFFB0] =	vst v2  }
0x12d: {  	v2 =	vld [tilespmem:s8+$0xDB0];
	[tilespmem:s6+$0x1E0] =	vst v3  }
0x12e: {  	[tilespmem:s11+$0xFFFFFE20] =	vst v4;
	v3 =	vld [tilespmem:s10+$0xDF0];
	s10 =	smov.u32 s17  }
0x12f: {  	v4 =	vld [tilespmem:s14+$0xD30];
	[tilespmem:s11+$0x130] =	vst v0  }
0x130: {  	[tilespmem:s11+$0xFFFFFF30] =	vst v5;
	v0 =	vld [tilespmem:s10+$0xD40]  }
0x131: {  	v5 =	vld [tilespmem:s13+$0xD40];
	[tilespmem:s11+$0x30] =	vst v1  }
0x132: {  	v1 =	vld [tilespmem:s12+$0xD40];
	[tilespmem:s6+$0xB0] =	vst v2  }
0x133: {  	v2 =	vld [tilespmem:s9+$0xDC0];
	[tilespmem:s6+$0x1F0] =	vst v3  }
0x134: {  	[tilespmem:s11+$0xFFFFFE30] =	vst v4;
	v3 =	vld [tilespmem:s7+$0xDC0]  }
0x135: {  	v4 =	vld [tilespmem:s14+$0xD40];
	[tilespmem:s11+$0x140] =	vst v0  }
0x136: {  	[tilespmem:s11+$0xFFFFFF40] =	vst v5;
	v0 =	vld [tilespmem:s10+$0xD50]  }
0x137: {  	v5 =	vld [tilespmem:s13+$0xD50];
	[tilespmem:s11+$0x40] =	vst v1  }
0x138: {  	v1 =	vld [tilespmem:s12+$0xD50];
	[tilespmem:s6+$0xFFFFFEC0] =	vst v2  }
0x139: {  	[tilespmem:s6+$0xFFFFFFC0] =	vst v3;
	v2 =	vld [tilespmem:s8+$0xDC0]  }
0x13a: {  	[tilespmem:s11+$0xFFFFFE40] =	vst v4;
	v3 =	vld [tilespmem:s9+$0xDD0]  }
0x13b: {  	v4 =	vld [tilespmem:s14+$0xD50];
	[tilespmem:s11+$0x150] =	vst v0  }
0x13c: {  	[tilespmem:s11+$0xFFFFFF50] =	vst v5;
	v5 =	vld [tilespmem:s10+$0xD60]  }
0x13d: {  	v6 =	vld [tilespmem:s13+$0xD60];
	[tilespmem:s11+$0x50] =	vst v1  }
0x13e: {  	v7 =	vld [tilespmem:s12+$0xD60];
	[tilespmem:s6+$0xC0] =	vst v2  }
0x13f: {  	[tilespmem:s6+$0xFFFFFED0] =	vst v3;
	v8 =	vld [tilespmem:s7+$0xDD0]  }
.Ltmp2:
0x140: {  	[tilespmem:s11+$0xFFFFFE50] =	vst v4;
	v0 =	vld [tilespmem:s8+$0xDD0];
	(pc) =	sbr.rel @p4 .LBB2_3-.Ltmp2, $4  }
0x141: {  	v1 =	vld [tilespmem:s14+$0xD60];
	[tilespmem:s11+$0x160] =	vst v5  }
0x142: {  	[tilespmem:s11+$0xFFFFFF60] =	vst v6;
	v3 =	vld [tilespmem:s10+$0xD70]  }
0x143: {  	v2 =	vld [tilespmem:s13+$0xD70];
	[tilespmem:s11+$0x60] =	vst v7  }
0x144: {  	s16 =	sadd.s32 $0x4, s16;
	v4 =	vld [tilespmem:s12+$0xD70];
	[tilespmem:s6+$0xFFFFFFD0] =	vst v8  }
0x145: {  	_ = 	snop  }
0x146: {  	[tilespmem:s11+$0xFFFFFE60] =	vst v1  }
0x147: {  	v1 =	vld [tilespmem:s14+$0xD70];
	_ =	sdelay $0x1  }
0x148: {  	[tilespmem:s11+$0x170] =	vst v3  }
0x149: {  	v3 =	vld [tilespmem:s10+$0xD80];
	[tilespmem:s11+$0xFFFFFF70] =	vst v2  }
0x14a: {  	[tilespmem:s11+$0x70] =	vst v4;
	v2 =	vld [tilespmem:s13+$0xD80]  }
0x14b: {  	v4 =	vld [tilespmem:s12+$0xD80];
	[tilespmem:s11+$0xFFFFFE70] =	vst v1  }
0x14c: {  	v1 =	vld [tilespmem:s14+$0xD80];
	_ =	sdelay $0x1  }
0x14d: {  	[tilespmem:s11+$0x180] =	vst v3  }
0x14e: {  	v3 =	vld [tilespmem:s10+$0xD90];
	[tilespmem:s11+$0xFFFFFF80] =	vst v2  }
0x14f: {  	v2 =	vld [tilespmem:s13+$0xD90];
	[tilespmem:s11+$0x80] =	vst v4  }
0x150: {  	v4 =	vld [tilespmem:s12+$0xD90];
	[tilespmem:s11+$0xFFFFFE80] =	vst v1  }
0x151: {  	v1 =	vld [tilespmem:s14+$0xD90];
	_ =	sdelay $0x1  }
0x152: {  	[tilespmem:s11+$0x190] =	vst v3  }
0x153: {  	v3 =	vld [tilespmem:s10+$0xDA0];
	[tilespmem:s11+$0xFFFFFF90] =	vst v2  }
0x154: {  	v2 =	vld [tilespmem:s13+$0xDA0];
	[tilespmem:s11+$0x90] =	vst v4  }
0x155: {  	v4 =	vld [tilespmem:s12+$0xDA0];
	[tilespmem:s11+$0xFFFFFE90] =	vst v1  }
0x156: {  	v1 =	vld [tilespmem:s14+$0xDA0];
	_ =	sdelay $0x1  }
0x157: {  	[tilespmem:s11+$0x1A0] =	vst v3  }
0x158: {  	v3 =	vld [tilespmem:s10+$0xDB0];
	[tilespmem:s11+$0xFFFFFFA0] =	vst v2  }
0x159: {  	[tilespmem:s11+$0xA0] =	vst v4;
	v2 =	vld [tilespmem:s13+$0xDB0]  }
0x15a: {  	v4 =	vld [tilespmem:s12+$0xDB0];
	[tilespmem:s11+$0xFFFFFEA0] =	vst v1  }
0x15b: {  	v1 =	vld [tilespmem:s14+$0xDB0];
	_ =	sdelay $0x1  }
0x15c: {  	[tilespmem:s11+$0x1B0] =	vst v3  }
0x15d: {  	v3 =	vld [tilespmem:s10+$0xDC0];
	[tilespmem:s11+$0xFFFFFFB0] =	vst v2  }
0x15e: {  	[tilespmem:s11+$0xB0] =	vst v4;
	v2 =	vld [tilespmem:s13+$0xDC0]  }
0x15f: {  	v4 =	vld [tilespmem:s12+$0xDC0];
	[tilespmem:s11+$0xFFFFFEB0] =	vst v1  }
0x160: {  	v1 =	vld [tilespmem:s14+$0xDC0]  }
0x161: {  	[tilespmem:s6+$0xD0] =	vst v0;
	v54 =	vld [tilespmem:s9+$0xDE0]  }
0x162: {  	v5 =	vld [tilespmem:s7+$0xDE0];
	[tilespmem:s11+$0x1C0] =	vst v3  }
0x163: {  	v3 =	vld [tilespmem:s10+$0xDD0];
	[tilespmem:s11+$0xFFFFFFC0] =	vst v2  }
0x164: {  	[tilespmem:s11+$0xC0] =	vst v4;
	v2 =	vld [tilespmem:s13+$0xDD0]  }
0x165: {  	v55 =	vld [tilespmem:s12+$0xDD0];
	[tilespmem:s11+$0xFFFFFEC0] =	vst v1  }
0x166: {  	[tilespmem:s6+$0xFFFFFEE0] =	vst v54;
	v1 =	vld [tilespmem:s14+$0xDD0]  }
0x167: {  	v56 =	vld [tilespmem:s8+$0xDE0];
	[tilespmem:s6+$0xFFFFFFE0] =	vst v5  }
0x168: {  	v57 =	vld [tilespmem:s9+$0xDF0];
	[tilespmem:s11+$0x1D0] =	vst v3  }
0x169: {  	v3 =	vld [tilespmem:s10+$0xDE0];
	[tilespmem:s11+$0xFFFFFFD0] =	vst v2  }
0x16a: {  	[tilespmem:s11+$0xD0] =	vst v55;
	v58 =	vld [tilespmem:s13+$0xDE0]  }
0x16b: {  	v59 =	vld [tilespmem:s12+$0xDE0];
	[tilespmem:s11+$0xFFFFFED0] =	vst v1  }
0x16c: {  	[tilespmem:s6+$0xE0] =	vst v56;
	v1 =	vld [tilespmem:s14+$0xDE0]  }
0x16d: {  	v60 =	vld [tilespmem:s7+$0xDF0];
	[tilespmem:s6+$0xFFFFFEF0] =	vst v57  }
0x16e: {  	v61 =	vld [tilespmem:s8+$0xDF0];
	[tilespmem:s11+$0x1E0] =	vst v3  }
0x16f: {  	v3 =	vld [tilespmem:s10+$0xDF0];
	[tilespmem:s11+$0xFFFFFFE0] =	vst v58  }
0x170: {  	[tilespmem:s11+$0xE0] =	vst v59;
	v63 =	vld [tilespmem:s13+$0xDF0]  }
0x171: {  	v2 =	vld [tilespmem:s12+$0xDF0];
	[tilespmem:s11+$0xFFFFFEE0] =	vst v1  }
0x172: {  	[tilespmem:s6+$0xFFFFFFF0] =	vst v60;
	v62 =	vld [tilespmem:s14+$0xDF0]  }
0x173: {  	s19 =	sshll.u32 s29, $0x6;
	[tilespmem:s6+$0xF0] =	vst v61  }
0x174: {  	s6 =	sor.u32 s4, s19;
	[tilespmem:s11+$0x1F0] =	vst v3  }
0x175: {  	s6 =	smul.u32 $0x1400, s6;
	[tilespmem:s11+$0xFFFFFFF0] =	vst v63  }
0x176: {  	[tilespmem:s11+$0xF0] =	vst v2  }
0x177: {  	s6 =	sadd.s32 s5, s6;
	[tilespmem:s11+$0xFFFFFEF0] =	vst v62  }
0x178: {  	[hbm4b:s6+s3] =	stream.linear.scatter [tilespmem:s1], [sflag:$0x2], $0xA000, $0x38;
	[tilespmem:$0x1AC00] =	vst v63  }
.Ltmp3:
0x179: {  	_ = 	snop;
	(pc) =	sbr.rel @!p3 .LBB2_5-.Ltmp3, $4  }
0x17a: {  	s6 =	simm.s32 @!p2 $0x3  }
0x17b: {  	_ =	swait.ge @!p2 [sflag:s6], $0xA000  }
0x17c: {  	[sflag:s6] =	ssyncset.done @!p2 $0x0  }
0x17d: {  	[sflag:s6] =	ssyncadd.s32 @!p2 $0xFFFF6000  }
0x17e: {  	v0 =	vld [tilespmem:s31+$0x0];
	_ =	sdelay $0x1  }
0x17f: {  	v1 =	vld [tilespmem:s31+$0xFFFFFFFE];
	_ =	sdelay $0x2  }
0x180: {  	v2 =	vld [tilespmem:s31+$0xFFFFFFFF];
	(v2sf) =	vpush v0, $0x0;
	_ =	sdelay $0x1  }
0x181: {  	v0 =	vld [tilespmem:s31+$0xFFFFFFFD];
	(v2sf) =	vpush v1, $0x0;
	_ =	sdelay $0x2  }
0x182: {  	(v2sf) =	vpush v2, $0x0;
	_ =	sdelay $0x1  }
0x183: {  	(v2sf) =	vpush v0, $0x0;
	_ =	sdelay $0x7  }
0x184: {  	s6 =	spop (v2sf)  }
0x185: {  	s6 =	sshll.u32 s6, $0xA  }
0x186: {  	s7 =	spop (v2sf);
	s15 =	sshra.s32 s6, $0x2  }
0x187: {  	s16 =	sshll.u32 s7, $0xA;
	v0 =	vld [tilespmem:s15+$0xD00]  }
0x188: {  	s7 =	sshra.s32 s16, $0x2  }
0x189: {  	s17 =	spop (v2sf);
	v1 =	vld [tilespmem:s7+$0xD00]  }
0x18a: {  	s8 =	sshll.u32 s17, $0xA  }
0x18b: {  	s6 =	simm.s32 $0x10E00;
	s8 =	sshra.s32 s8, $0x2;
	s9 =	spop (v2sf)  }
0x18c: {  	v2 =	vld [tilespmem:s8+$0xD00];
	s9 =	sshll.u32 s9, $0xA;
	[tilespmem:s6+$0x100] =	vst v0  }
0x18d: {  	s9 =	sshra.s32 s9, $0x2;
	v0 =	vld [tilespmem:s15+$0xD10]  }
0x18e: {  	v3 =	vld [tilespmem:s9+$0xD00];
	[tilespmem:s6+$0xFFFFFF00] =	vst v1  }
0x18f: {  	v1 =	vld [tilespmem:s7+$0xD10];
	_ =	sdelay $0x1  }
0x190: {  	[tilespmem:s6+$0x0] =	vst v2  }
0x191: {  	v2 =	vld [tilespmem:s8+$0xD10];
	[tilespmem:s6+$0x110] =	vst v0  }
0x192: {  	[tilespmem:s6+$0xFFFFFE00] =	vst v3;
	v0 =	vld [tilespmem:s15+$0xD20]  }
0x193: {  	v3 =	vld [tilespmem:s9+$0xD10];
	[tilespmem:s6+$0xFFFFFF10] =	vst v1  }
0x194: {  	v1 =	vld [tilespmem:s7+$0xD20];
	_ =	sdelay $0x1  }
0x195: {  	[tilespmem:s6+$0x10] =	vst v2  }
0x196: {  	v2 =	vld [tilespmem:s8+$0xD20];
	[tilespmem:s6+$0x120] =	vst v0  }
0x197: {  	[tilespmem:s6+$0xFFFFFE10] =	vst v3;
	v0 =	vld [tilespmem:s15+$0xD30]  }
0x198: {  	v3 =	vld [tilespmem:s9+$0xD20];
	[tilespmem:s6+$0xFFFFFF20] =	vst v1  }
0x199: {  	v1 =	vld [tilespmem:s7+$0xD30];
	_ =	sdelay $0x1  }
0x19a: {  	[tilespmem:s6+$0x20] =	vst v2  }
0x19b: {  	v2 =	vld [tilespmem:s8+$0xD30];
	[tilespmem:s6+$0x130] =	vst v0  }
0x19c: {  	[tilespmem:s6+$0xFFFFFE20] =	vst v3;
	v0 =	vld [tilespmem:s15+$0xD40]  }
0x19d: {  	v3 =	vld [tilespmem:s9+$0xD30];
	[tilespmem:s6+$0xFFFFFF30] =	vst v1  }
0x19e: {  	v1 =	vld [tilespmem:s7+$0xD40];
	_ =	sdelay $0x1  }
0x19f: {  	[tilespmem:s6+$0x30] =	vst v2  }
0x1a0: {  	v2 =	vld [tilespmem:s8+$0xD40];
	[tilespmem:s6+$0x140] =	vst v0  }
0x1a1: {  	[tilespmem:s6+$0xFFFFFE30] =	vst v3;
	v0 =	vld [tilespmem:s15+$0xD50]  }
0x1a2: {  	v3 =	vld [tilespmem:s9+$0xD40];
	[tilespmem:s6+$0xFFFFFF40] =	vst v1  }
0x1a3: {  	v1 =	vld [tilespmem:s7+$0xD50]  }
0x1a4: {  	s17 =	sadd.s32 $0x4, s31  }
0x1a5: {  	v4 =	vld [tilespmem:s17+$0x0];
	[tilespmem:s6+$0x40] =	vst v2  }
0x1a6: {  	v2 =	vld [tilespmem:s8+$0xD50];
	[tilespmem:s6+$0x150] =	vst v0  }
0x1a7: {  	[tilespmem:s6+$0xFFFFFE40] =	vst v3;
	v0 =	vld [tilespmem:s15+$0xD60]  }
0x1a8: {  	v3 =	vld [tilespmem:s9+$0xD50];
	[tilespmem:s6+$0xFFFFFF50] =	vst v1  }
0x1a9: {  	v1 =	vld [tilespmem:s7+$0xD60]  }
0x1aa: {  	v5 =	vld [tilespmem:s17+$0xFFFFFFFE]  }
0x1ab: {  	v6 =	vld [tilespmem:s17+$0xFFFFFFFF];
	[tilespmem:s6+$0x50] =	vst v2  }
0x1ac: {  	v2 =	vld [tilespmem:s8+$0xD60];
	[tilespmem:s6+$0x160] =	vst v0  }
0x1ad: {  	[tilespmem:s6+$0xFFFFFE50] =	vst v3;
	v0 =	vld [tilespmem:s15+$0xD70]  }
0x1ae: {  	v3 =	vld [tilespmem:s9+$0xD60];
	[tilespmem:s6+$0xFFFFFF60] =	vst v1  }
0x1af: {  	v1 =	vld [tilespmem:s7+$0xD70]  }
0x1b0: {  	(v2sf) =	vpush v4, $0x0;
	v4 =	vld [tilespmem:s17+$0xFFFFFFFD]  }
0x1b1: {  	[tilespmem:s6+$0x60] =	vst v2  }
0x1b2: {  	v2 =	vld [tilespmem:s8+$0xD70];
	[tilespmem:s6+$0x170] =	vst v0  }
0x1b3: {  	(v2sf) =	vpush v5, $0x0;
	[tilespmem:s6+$0xFFFFFE60] =	vst v3;
	v0 =	vld [tilespmem:s15+$0xD80]  }
0x1b4: {  	(v2sf) =	vpush v6, $0x0;
	[tilespmem:s6+$0xFFFFFF70] =	vst v1;
	v1 =	vld [tilespmem:s9+$0xD70]  }
0x1b5: {  	(v2sf) =	vpush v4, $0x0;
	_ =	sdelay $0x1  }
0x1b6: {  	v3 =	vld [tilespmem:s7+$0xD80];
	[tilespmem:s6+$0x70] =	vst v2  }
0x1b7: {  	v2 =	vld [tilespmem:s8+$0xD80];
	[tilespmem:s6+$0x180] =	vst v0  }
0x1b8: {  	[tilespmem:s6+$0xFFFFFE70] =	vst v1;
	v0 =	vld [tilespmem:s15+$0xD90]  }
0x1b9: {  	v1 =	vld [tilespmem:s9+$0xD80];
	_ =	sdelay $0x1  }
0x1ba: {  	[tilespmem:s6+$0xFFFFFF80] =	vst v3  }
0x1bb: {  	v3 =	vld [tilespmem:s7+$0xD90];
	[tilespmem:s6+$0x80] =	vst v2  }
0x1bc: {  	v2 =	vld [tilespmem:s8+$0xD90];
	[tilespmem:s6+$0x190] =	vst v0  }
0x1bd: {  	s10 =	spop (v2sf);
	[tilespmem:s6+$0xFFFFFE80] =	vst v1;
	v0 =	vld [tilespmem:s15+$0xDA0]  }
0x1be: {  	s10 =	sshll.u32 s10, $0xA;
	v1 =	vld [tilespmem:s9+$0xD90]  }
0x1bf: {  	s10 =	sshra.s32 s10, $0x2  }
0x1c0: {  	s11 =	spop (v2sf);
	v4 =	vld [tilespmem:s10+$0xD00];
	[tilespmem:s6+$0xFFFFFF90] =	vst v3  }
0x1c1: {  	s11 =	sshll.u32 s11, $0xA;
	s12 =	spop (v2sf);
	v3 =	vld [tilespmem:s7+$0xDA0];
	[tilespmem:s6+$0x90] =	vst v2  }
0x1c2: {  	s13 =	sshra.s32 s11, $0x2;
	s19 =	spop (v2sf);
	v2 =	vld [tilespmem:s8+$0xDA0];
	[tilespmem:s6+$0x1A0] =	vst v0  }
0x1c3: {  	s11 =	sshll.u32 s19, $0xA;
	[tilespmem:s6+$0xFFFFFE90] =	vst v1;
	v1 =	vld [tilespmem:s13+$0xD00]  }
0x1c4: {  	s18 =	sshll.u32 s12, $0xA;
	s14 =	sshra.s32 s11, $0x2;
	s11 =	simm.s32 $0x11200;
	v0 =	vld [tilespmem:s15+$0xDB0]  }
0x1c5: {  	s12 =	sshra.s32 s18, $0x2;
	[tilespmem:s11+$0x100] =	vst v4  }
0x1c6: {  	[tilespmem:s6+$0xFFFFFFA0] =	vst v3;
	v3 =	vld [tilespmem:s12+$0xD00]  }
0x1c7: {  	v5 =	vld [tilespmem:s9+$0xDA0];
	[tilespmem:s6+$0xA0] =	vst v2  }
0x1c8: {  	v2 =	vld [tilespmem:s14+$0xD00];
	[tilespmem:s11+$0xFFFFFF00] =	vst v1  }
0x1c9: {  	v1 =	vld [tilespmem:s10+$0xD10];
	[tilespmem:s6+$0x1B0] =	vst v0  }
0x1ca: {  	v0 =	vld [tilespmem:s15+$0xDC0]  }
0x1cb: {  	v4 =	vld [tilespmem:s13+$0xD10];
	[tilespmem:s11+$0x0] =	vst v3  }
0x1cc: {  	[tilespmem:s6+$0xFFFFFEA0] =	vst v5;
	v3 =	vld [tilespmem:s12+$0xD10]  }
0x1cd: {  	v5 =	vld [tilespmem:s9+$0xDB0];
	[tilespmem:s11+$0xFFFFFE00] =	vst v2  }
0x1ce: {  	v2 =	vld [tilespmem:s14+$0xD10];
	[tilespmem:s11+$0x110] =	vst v1  }
0x1cf: {  	v1 =	vld [tilespmem:s10+$0xD20];
	[tilespmem:s6+$0x1C0] =	vst v0  }
0x1d0: {  	[tilespmem:s11+$0xFFFFFF10] =	vst v4;
	v0 =	vld [tilespmem:s15+$0xDD0]  }
0x1d1: {  	v4 =	vld [tilespmem:s13+$0xD20];
	[tilespmem:s11+$0x10] =	vst v3  }
0x1d2: {  	[tilespmem:s6+$0xFFFFFEB0] =	vst v5;
	v3 =	vld [tilespmem:s12+$0xD20]  }
0x1d3: {  	v5 =	vld [tilespmem:s7+$0xDB0];
	[tilespmem:s11+$0xFFFFFE10] =	vst v2  }
0x1d4: {  	v2 =	vld [tilespmem:s14+$0xD20];
	[tilespmem:s11+$0x120] =	vst v1  }
0x1d5: {  	v1 =	vld [tilespmem:s10+$0xD30];
	[tilespmem:s6+$0x1D0] =	vst v0  }
0x1d6: {  	[tilespmem:s11+$0xFFFFFF20] =	vst v4;
	v0 =	vld [tilespmem:s15+$0xDE0]  }
0x1d7: {  	v4 =	vld [tilespmem:s13+$0xD30];
	[tilespmem:s11+$0x20] =	vst v3  }
0x1d8: {  	[tilespmem:s6+$0xFFFFFFB0] =	vst v5;
	v3 =	vld [tilespmem:s12+$0xD30]  }
0x1d9: {  	v5 =	vld [tilespmem:s8+$0xDB0];
	[tilespmem:s11+$0xFFFFFE20] =	vst v2  }
0x1da: {  	v2 =	vld [tilespmem:s14+$0xD30];
	[tilespmem:s11+$0x130] =	vst v1  }
0x1db: {  	v1 =	vld [tilespmem:s10+$0xD40];
	[tilespmem:s6+$0x1E0] =	vst v0  }
0x1dc: {  	[tilespmem:s11+$0xFFFFFF30] =	vst v4;
	v0 =	vld [tilespmem:s15+$0xDF0]  }
0x1dd: {  	v4 =	vld [tilespmem:s13+$0xD40];
	[tilespmem:s11+$0x30] =	vst v3  }
0x1de: {  	[tilespmem:s6+$0xB0] =	vst v5;
	v3 =	vld [tilespmem:s12+$0xD40]  }
0x1df: {  	v5 =	vld [tilespmem:s9+$0xDC0];
	[tilespmem:s11+$0xFFFFFE30] =	vst v2  }
0x1e0: {  	v2 =	vld [tilespmem:s14+$0xD40];
	[tilespmem:s11+$0x140] =	vst v1  }
0x1e1: {  	[tilespmem:s6+$0x1F0] =	vst v0;
	v0 =	vld [tilespmem:s7+$0xDC0]  }
0x1e2: {  	[tilespmem:s11+$0xFFFFFF40] =	vst v4;
	v1 =	vld [tilespmem:s10+$0xD50]  }
0x1e3: {  	v4 =	vld [tilespmem:s13+$0xD50];
	[tilespmem:s11+$0x40] =	vst v3  }
0x1e4: {  	[tilespmem:s6+$0xFFFFFEC0] =	vst v5;
	v3 =	vld [tilespmem:s12+$0xD50]  }
0x1e5: {  	[tilespmem:s11+$0xFFFFFE40] =	vst v2;
	v2 =	vld [tilespmem:s9+$0xDD0]  }
0x1e6: {  	[tilespmem:s6+$0xFFFFFFC0] =	vst v0;
	v0 =	vld [tilespmem:s8+$0xDC0]  }
0x1e7: {  	v5 =	vld [tilespmem:s14+$0xD50];
	[tilespmem:s11+$0x150] =	vst v1  }
0x1e8: {  	[tilespmem:s11+$0xFFFFFF50] =	vst v4;
	v4 =	vld [tilespmem:s10+$0xD60]  }
0x1e9: {  	v6 =	vld [tilespmem:s13+$0xD60];
	[tilespmem:s11+$0x50] =	vst v3  }
0x1ea: {  	[tilespmem:s6+$0xFFFFFED0] =	vst v2;
	v3 =	vld [tilespmem:s12+$0xD60]  }
0x1eb: {  	v7 =	vld [tilespmem:s7+$0xDD0];
	[tilespmem:s6+$0xC0] =	vst v0  }
0x1ec: {  	[tilespmem:s11+$0xFFFFFE50] =	vst v5;
	v0 =	vld [tilespmem:s8+$0xDD0]  }
0x1ed: {  	v1 =	vld [tilespmem:s14+$0xD60];
	[tilespmem:s11+$0x160] =	vst v4  }
0x1ee: {  	[tilespmem:s11+$0xFFFFFF60] =	vst v6;
	v4 =	vld [tilespmem:s10+$0xD70]  }
0x1ef: {  	v2 =	vld [tilespmem:s13+$0xD70];
	[tilespmem:s11+$0x60] =	vst v3  }
0x1f0: {  	s16 =	simm.s32 $0x4;
	s17 =	sadd.s32 $0x4, s17;
	s15 =	sshllo.u32 s29, $0x1;
	[tilespmem:s6+$0xFFFFFFD0] =	vst v7;
	v3 =	vld [tilespmem:s12+$0xD70]  }
.LBB2_7:
0x1f1: {  	v5 =	vld [tilespmem:s17+$0x0];
	s16 =	sadd.s32 $0x4, s16;
	[tilespmem:s6+$0xD0] =	vst v0  }
0x1f2: {  	v0 =	vld [tilespmem:s17+$0xFFFFFFFE];
	p2 =	slt.u32 s16, $0x9C;
	[tilespmem:s11+$0xFFFFFE60] =	vst v1  }
0x1f3: {  	v1 =	vld [tilespmem:s17+$0xFFFFFFFF];
	[tilespmem:s11+$0x170] =	vst v4  }
0x1f4: {  	[tilespmem:s11+$0xFFFFFF70] =	vst v2;
	v2 =	vld [tilespmem:s10+$0xD80]  }
0x1f5: {  	v4 =	vld [tilespmem:s17+$0xFFFFFFFD];
	[tilespmem:s11+$0x70] =	vst v3  }
0x1f6: {  	(v2sf) =	vpush v5, $0x0;
	v3 =	vld [tilespmem:s14+$0xD70]  }
0x1f7: {  	(v2sf) =	vpush v0, $0x0;
	v0 =	vld [tilespmem:s13+$0xD80]  }
0x1f8: {  	(v2sf) =	vpush v1, $0x0;
	v1 =	vld [tilespmem:s12+$0xD80]  }
0x1f9: {  	[tilespmem:s11+$0x180] =	vst v2;
	v2 =	vld [tilespmem:s9+$0xDE0]  }
0x1fa: {  	(v2sf) =	vpush v4, $0x0;
	v4 =	vld [tilespmem:s10+$0xD90]  }
0x1fb: {  	[tilespmem:s11+$0xFFFFFE70] =	vst v3;
	v3 =	vld [tilespmem:s7+$0xDE0]  }
0x1fc: {  	v5 =	vld [tilespmem:s14+$0xD80];
	[tilespmem:s11+$0xFFFFFF80] =	vst v0  }
0x1fd: {  	v0 =	vld [tilespmem:s13+$0xD90];
	[tilespmem:s11+$0x80] =	vst v1  }
0x1fe: {  	v1 =	vld [tilespmem:s12+$0xD90];
	[tilespmem:s6+$0xFFFFFEE0] =	vst v2  }
0x1ff: {  	[tilespmem:s11+$0x190] =	vst v4;
	v2 =	vld [tilespmem:s8+$0xDE0]  }
0x200: {  	v4 =	vld [tilespmem:s10+$0xDA0];
	[tilespmem:s6+$0xFFFFFFE0] =	vst v3  }
0x201: {  	[tilespmem:s11+$0xFFFFFE80] =	vst v5;
	v3 =	vld [tilespmem:s9+$0xDF0];
	s9 =	smov.u32 s14  }
0x202: {  	v5 =	vld [tilespmem:s9+$0xD90];
	[tilespmem:s11+$0xFFFFFF90] =	vst v0  }
0x203: {  	v0 =	vld [tilespmem:s13+$0xDA0];
	[tilespmem:s11+$0x90] =	vst v1  }
0x204: {  	v1 =	vld [tilespmem:s12+$0xDA0];
	[tilespmem:s6+$0xE0] =	vst v2  }
0x205: {  	s14 =	spop (v2sf);
	[tilespmem:s11+$0x1A0] =	vst v4;
	v2 =	vld [tilespmem:s7+$0xDF0];
	s7 =	smov.u32 s13  }
0x206: {  	s13 =	sshll.u32 s14, $0xA;
	s14 =	spop (v2sf);
	v4 =	vld [tilespmem:s10+$0xDB0];
	[tilespmem:s6+$0xFFFFFEF0] =	vst v3  }
0x207: {  	s14 =	sshll.u32 s14, $0xA;
	s18 =	sshra.s32 s13, $0x2;
	s19 =	spop (v2sf);
	[tilespmem:s11+$0xFFFFFE90] =	vst v5;
	v3 =	vld [tilespmem:s8+$0xDF0]  }
0x208: {  	s8 =	smov.u32 s12;
	s13 =	sshra.s32 s14, $0x2;
	s14 =	sshll.u32 s19, $0xA;
	v5 =	vld [tilespmem:s18+$0xD00];
	[tilespmem:s11+$0xFFFFFFA0] =	vst v0  }
0x209: {  	v0 =	vld [tilespmem:s13+$0xD00];
	s12 =	sshra.s32 s14, $0x2;
	s14 =	spop (v2sf);
	[tilespmem:s11+$0xA0] =	vst v1  }
0x20a: {  	s14 =	sshll.u32 s14, $0xA;
	v1 =	vld [tilespmem:s12+$0xD00];
	[tilespmem:s6+$0xFFFFFFF0] =	vst v2  }
0x20b: {  	s14 =	sshra.s32 s14, $0x2;
	v2 =	vld [tilespmem:s9+$0xDA0];
	[tilespmem:s11+$0x1B0] =	vst v4  }
0x20c: {  	v4 =	vld [tilespmem:s10+$0xDC0];
	[tilespmem:s6+$0xF0] =	vst v3;
	s6 =	smov.u32 s11;
	s11 =	sadd.s32 $0x400, s11  }
0x20d: {  	v3 =	vld [tilespmem:s14+$0xD00];
	[tilespmem:s11+$0x100] =	vst v5  }
0x20e: {  	[tilespmem:s11+$0xFFFFFF00] =	vst v0;
	v0 =	vld [tilespmem:s18+$0xD10]  }
0x20f: {  	v5 =	vld [tilespmem:s13+$0xD10];
	[tilespmem:s11+$0x0] =	vst v1  }
0x210: {  	v1 =	vld [tilespmem:s12+$0xD10];
	[tilespmem:s6+$0xFFFFFEA0] =	vst v2  }
0x211: {  	v2 =	vld [tilespmem:s9+$0xDB0];
	[tilespmem:s6+$0x1C0] =	vst v4  }
0x212: {  	[tilespmem:s11+$0xFFFFFE00] =	vst v3;
	v3 =	vld [tilespmem:s10+$0xDD0]  }
0x213: {  	v4 =	vld [tilespmem:s14+$0xD10];
	[tilespmem:s11+$0x110] =	vst v0  }
0x214: {  	[tilespmem:s11+$0xFFFFFF10] =	vst v5;
	v0 =	vld [tilespmem:s18+$0xD20]  }
0x215: {  	v5 =	vld [tilespmem:s13+$0xD20];
	[tilespmem:s11+$0x10] =	vst v1  }
0x216: {  	v1 =	vld [tilespmem:s12+$0xD20];
	[tilespmem:s6+$0xFFFFFEB0] =	vst v2  }
0x217: {  	v2 =	vld [tilespmem:s7+$0xDB0];
	[tilespmem:s6+$0x1D0] =	vst v3  }
0x218: {  	[tilespmem:s11+$0xFFFFFE10] =	vst v4;
	v3 =	vld [tilespmem:s10+$0xDE0]  }
0x219: {  	v4 =	vld [tilespmem:s14+$0xD20];
	[tilespmem:s11+$0x120] =	vst v0  }
0x21a: {  	[tilespmem:s11+$0xFFFFFF20] =	vst v5;
	v0 =	vld [tilespmem:s18+$0xD30]  }
0x21b: {  	v5 =	vld [tilespmem:s13+$0xD30];
	[tilespmem:s11+$0x20] =	vst v1  }
0x21c: {  	v1 =	vld [tilespmem:s12+$0xD30];
	[tilespmem:s6+$0xFFFFFFB0] =	vst v2  }
0x21d: {  	v2 =	vld [tilespmem:s8+$0xDB0];
	[tilespmem:s6+$0x1E0] =	vst v3  }
0x21e: {  	[tilespmem:s11+$0xFFFFFE20] =	vst v4;
	v3 =	vld [tilespmem:s10+$0xDF0];
	s10 =	smov.u32 s18  }
0x21f: {  	v4 =	vld [tilespmem:s14+$0xD30];
	[tilespmem:s11+$0x130] =	vst v0  }
0x220: {  	[tilespmem:s11+$0xFFFFFF30] =	vst v5;
	v0 =	vld [tilespmem:s10+$0xD40]  }
0x221: {  	v5 =	vld [tilespmem:s13+$0xD40];
	[tilespmem:s11+$0x30] =	vst v1  }
0x222: {  	v1 =	vld [tilespmem:s12+$0xD40];
	[tilespmem:s6+$0xB0] =	vst v2  }
0x223: {  	v2 =	vld [tilespmem:s9+$0xDC0];
	[tilespmem:s6+$0x1F0] =	vst v3  }
0x224: {  	[tilespmem:s11+$0xFFFFFE30] =	vst v4;
	v3 =	vld [tilespmem:s7+$0xDC0]  }
0x225: {  	v4 =	vld [tilespmem:s14+$0xD40];
	[tilespmem:s11+$0x140] =	vst v0  }
0x226: {  	[tilespmem:s11+$0xFFFFFF40] =	vst v5;
	v0 =	vld [tilespmem:s10+$0xD50]  }
0x227: {  	v5 =	vld [tilespmem:s13+$0xD50];
	[tilespmem:s11+$0x40] =	vst v1  }
0x228: {  	v1 =	vld [tilespmem:s12+$0xD50];
	[tilespmem:s6+$0xFFFFFEC0] =	vst v2  }
0x229: {  	[tilespmem:s6+$0xFFFFFFC0] =	vst v3;
	v2 =	vld [tilespmem:s8+$0xDC0]  }
0x22a: {  	[tilespmem:s11+$0xFFFFFE40] =	vst v4;
	v3 =	vld [tilespmem:s9+$0xDD0]  }
0x22b: {  	v4 =	vld [tilespmem:s14+$0xD50];
	[tilespmem:s11+$0x150] =	vst v0  }
0x22c: {  	[tilespmem:s11+$0xFFFFFF50] =	vst v5;
	v5 =	vld [tilespmem:s10+$0xD60]  }
0x22d: {  	v6 =	vld [tilespmem:s13+$0xD60];
	[tilespmem:s11+$0x50] =	vst v1  }
0x22e: {  	v7 =	vld [tilespmem:s12+$0xD60];
	[tilespmem:s6+$0xC0] =	vst v2  }
0x22f: {  	[tilespmem:s6+$0xFFFFFED0] =	vst v3;
	v8 =	vld [tilespmem:s7+$0xDD0]  }
.Ltmp4:
0x230: {  	[tilespmem:s11+$0xFFFFFE50] =	vst v4;
	v0 =	vld [tilespmem:s8+$0xDD0];
	(pc) =	sbr.rel @p2 .LBB2_7-.Ltmp4, $4  }
0x231: {  	v1 =	vld [tilespmem:s14+$0xD60];
	[tilespmem:s11+$0x160] =	vst v5  }
0x232: {  	[tilespmem:s11+$0xFFFFFF60] =	vst v6;
	v4 =	vld [tilespmem:s10+$0xD70]  }
0x233: {  	v2 =	vld [tilespmem:s13+$0xD70];
	[tilespmem:s11+$0x60] =	vst v7  }
0x234: {  	s17 =	sadd.s32 $0x4, s17;
	v3 =	vld [tilespmem:s12+$0xD70];
	[tilespmem:s6+$0xFFFFFFD0] =	vst v8  }
0x235: {  	_ = 	snop  }
0x236: {  	[tilespmem:s11+$0xFFFFFE60] =	vst v1  }
0x237: {  	v1 =	vld [tilespmem:s14+$0xD70];
	_ =	sdelay $0x1  }
0x238: {  	[tilespmem:s11+$0x170] =	vst v4  }
0x239: {  	v4 =	vld [tilespmem:s10+$0xD80];
	[tilespmem:s11+$0xFFFFFF70] =	vst v2  }
0x23a: {  	[tilespmem:s11+$0x70] =	vst v3;
	v2 =	vld [tilespmem:s13+$0xD80]  }
0x23b: {  	v3 =	vld [tilespmem:s12+$0xD80];
	[tilespmem:s11+$0xFFFFFE70] =	vst v1  }
0x23c: {  	v1 =	vld [tilespmem:s14+$0xD80];
	_ =	sdelay $0x1  }
0x23d: {  	[tilespmem:s11+$0x180] =	vst v4  }
0x23e: {  	v4 =	vld [tilespmem:s10+$0xD90];
	[tilespmem:s11+$0xFFFFFF80] =	vst v2  }
0x23f: {  	v2 =	vld [tilespmem:s13+$0xD90];
	[tilespmem:s11+$0x80] =	vst v3  }
0x240: {  	v3 =	vld [tilespmem:s12+$0xD90];
	[tilespmem:s11+$0xFFFFFE80] =	vst v1  }
0x241: {  	v1 =	vld [tilespmem:s14+$0xD90];
	_ =	sdelay $0x1  }
0x242: {  	[tilespmem:s11+$0x190] =	vst v4  }
0x243: {  	v4 =	vld [tilespmem:s10+$0xDA0];
	[tilespmem:s11+$0xFFFFFF90] =	vst v2  }
0x244: {  	v2 =	vld [tilespmem:s13+$0xDA0];
	[tilespmem:s11+$0x90] =	vst v3  }
0x245: {  	v3 =	vld [tilespmem:s12+$0xDA0];
	[tilespmem:s11+$0xFFFFFE90] =	vst v1  }
0x246: {  	v1 =	vld [tilespmem:s14+$0xDA0];
	_ =	sdelay $0x1  }
0x247: {  	[tilespmem:s11+$0x1A0] =	vst v4  }
0x248: {  	v4 =	vld [tilespmem:s10+$0xDB0];
	[tilespmem:s11+$0xFFFFFFA0] =	vst v2  }
0x249: {  	[tilespmem:s11+$0xA0] =	vst v3;
	v2 =	vld [tilespmem:s13+$0xDB0]  }
0x24a: {  	v3 =	vld [tilespmem:s12+$0xDB0];
	[tilespmem:s11+$0xFFFFFEA0] =	vst v1  }
0x24b: {  	v1 =	vld [tilespmem:s14+$0xDB0];
	_ =	sdelay $0x1  }
0x24c: {  	[tilespmem:s11+$0x1B0] =	vst v4  }
0x24d: {  	v4 =	vld [tilespmem:s10+$0xDC0];
	[tilespmem:s11+$0xFFFFFFB0] =	vst v2  }
0x24e: {  	[tilespmem:s11+$0xB0] =	vst v3;
	v2 =	vld [tilespmem:s13+$0xDC0]  }
0x24f: {  	v3 =	vld [tilespmem:s12+$0xDC0];
	[tilespmem:s11+$0xFFFFFEB0] =	vst v1  }
0x250: {  	v1 =	vld [tilespmem:s14+$0xDC0]  }
0x251: {  	[tilespmem:s6+$0xD0] =	vst v0;
	v54 =	vld [tilespmem:s9+$0xDE0]  }
0x252: {  	v5 =	vld [tilespmem:s7+$0xDE0];
	[tilespmem:s11+$0x1C0] =	vst v4  }
0x253: {  	v4 =	vld [tilespmem:s10+$0xDD0];
	[tilespmem:s11+$0xFFFFFFC0] =	vst v2  }
0x254: {  	[tilespmem:s11+$0xC0] =	vst v3;
	v2 =	vld [tilespmem:s13+$0xDD0]  }
0x255: {  	v55 =	vld [tilespmem:s12+$0xDD0];
	[tilespmem:s11+$0xFFFFFEC0] =	vst v1  }
0x256: {  	[tilespmem:s6+$0xFFFFFEE0] =	vst v54;
	v1 =	vld [tilespmem:s14+$0xDD0]  }
0x257: {  	v56 =	vld [tilespmem:s8+$0xDE0];
	[tilespmem:s6+$0xFFFFFFE0] =	vst v5  }
0x258: {  	v57 =	vld [tilespmem:s9+$0xDF0];
	[tilespmem:s11+$0x1D0] =	vst v4  }
0x259: {  	v4 =	vld [tilespmem:s10+$0xDE0];
	[tilespmem:s11+$0xFFFFFFD0] =	vst v2  }
0x25a: {  	[tilespmem:s11+$0xD0] =	vst v55;
	v58 =	vld [tilespmem:s13+$0xDE0]  }
0x25b: {  	v59 =	vld [tilespmem:s12+$0xDE0];
	[tilespmem:s11+$0xFFFFFED0] =	vst v1  }
0x25c: {  	[tilespmem:s6+$0xE0] =	vst v56;
	v1 =	vld [tilespmem:s14+$0xDE0]  }
0x25d: {  	v60 =	vld [tilespmem:s7+$0xDF0];
	[tilespmem:s6+$0xFFFFFEF0] =	vst v57  }
0x25e: {  	v61 =	vld [tilespmem:s8+$0xDF0];
	[tilespmem:s11+$0x1E0] =	vst v4  }
0x25f: {  	v4 =	vld [tilespmem:s10+$0xDF0];
	[tilespmem:s11+$0xFFFFFFE0] =	vst v58  }
0x260: {  	[tilespmem:s11+$0xE0] =	vst v59;
	v63 =	vld [tilespmem:s13+$0xDF0]  }
0x261: {  	v2 =	vld [tilespmem:s12+$0xDF0];
	[tilespmem:s11+$0xFFFFFEE0] =	vst v1  }
0x262: {  	s29 =	sadd.s32 $0x1, s29;
	[tilespmem:s6+$0xFFFFFFF0] =	vst v60;
	v62 =	vld [tilespmem:s14+$0xDF0]  }
0x263: {  	s19 =	sshll.u32 s15, $0x5;
	p2 =	sne.s32 s29, $0xA;
	[tilespmem:s6+$0xF0] =	vst v61  }
.Ltmp5:
0x264: {  	s6 =	sor.u32 s4, s19;
	[tilespmem:s11+$0x1F0] =	vst v4;
	(pc) =	sbr.rel @p2 .LBB2_2-.Ltmp5, $4  }
0x265: {  	s6 =	smul.u32 $0x1400, s6;
	[tilespmem:s11+$0xFFFFFFF0] =	vst v63  }
0x266: {  	[tilespmem:s11+$0xF0] =	vst v2  }
0x267: {  	s2 =	sadd.s32 $0x140, s2;
	s31 =	sadd.s32 $0x140, s31;
	s6 =	sadd.s32 s5, s6;
	[tilespmem:s11+$0xFFFFFEF0] =	vst v62  }
0x268: {  	[hbm4b:s6+s3] =	stream.linear.scatter [tilespmem:s28], [sflag:$0x3], $0xA000, $0x38;
	[tilespmem:$0x1AC00] =	vst v63  }
.Ltmp6:
0x269: {  	(pc) =	sbr.rel @p0 .LBB2_11-.Ltmp6, $4  }
.Ltmp7:
0x26a: {  	s2 =	simm.s32 $0x2;
	(pc) =	sbr.rel @!p0 .LBB2_10-.Ltmp7, $4  }
0x26b: {  	_ =	swait.ge [sflag:s2], $0xA000  }
0x26c: {  	[sflag:s2] =	ssyncset.done $0x0  }
0x26d: {  	[sflag:s2] =	ssyncadd.s32 $0xFFFF6000;
	s2 =	simm.s32 $0x3  }
0x26e: {  	_ = 	snop  }
.LBB2_12:
0x26f: {  	_ =	sfence.sel $0x180000  }
0x270: {  	[bflag:$0x0] =	sbarrier.arrive $0xFFFF  }
0x271: {  	_ =	strace $0x90000047  }
0x272: {  	s0 =	stileid.u32;
	[bflag:$0x2] =	sbarrier.arrive $0xFFFF  }
0x273: {  	p0 =	sne.s32 s0, $0x0;
	s0 =	rddreg [dreg:$0x3]  }
0x274: {  	s0 =	sadd.s32 @!p0 $0x100000, s0  }
0x275: {  	[sflag:s0] =	ssyncadd.tile.s32 @!p0 $0x1;
	_ =	shalt  }
.Lfunc_end2:
_tile_overlayer_lowered:
.L_overlay_start_2:
0x276: {  	(tag) =	ssettag $0x2  }
0x277: {  	s0 =	rddreg [dreg:$0x0];
	s2 =	stileid.u32  }
0x278: {  	s1 =	rddreg [dreg:$0x1];
	p0 =	sne.s32 s2, $0x0  }
0x279: {  	s3 =	rddreg [dreg:$0x2];
	[bflag:$0x3] =	sbarrier.arrive $0xFFFF;
	s2 =	simm.s32 @!p0 $0x1C04  }
0x27a: {  	[timem:s3], [sflag:s2] =	dma.local @!p0 [hbm:s0], s1  }
0x27b: {  	s0 =	simm.s32 @!p0 $0x4  }
0x27c: {  	_ =	swait.ge @!p0 [sflag:s0], s1  }
0x27d: {  	s1 =	ssub.s32 @!p0 $0x0, s1;
	[sflag:s0] =	ssyncset.done @!p0 $0x0  }
0x27e: {  	[sflag:s0] =	ssyncadd.s32 @!p0 s1  }
0x27f: {  	[bflag:$0x3] =	sbarrier.arrive $0xFFFF  }
0x280: {  	_ =	shalt  }

</sc_bundles>
